<compile_context>
chip_gen: v7x
topology: tpu7x:2x2x1
jax: 0.10.2.dev20260603
libtpu: 0.0.44.dev20260713+nightly
codegen_flags: <defaults>
</compile_context>

<pallas_src>
import functools

import jax
import jax.numpy as jnp
from jax import lax
from jax.experimental import pallas as pl
from jax.experimental.pallas import tpu as pltpu
from jax.experimental.pallas import tpu_sc as plsc

B = 8
W = 32
H = 32
DIM = 384
LANES = 16
NCHUNK = DIM // LANES
NC = 2
NS = 16
H0 = 16


def _body(emb_x_hbm, emb_y_hbm, out_hbm, ex_v, ey_v, z_v, insem, insem2, outsem):
    wid = lax.axis_index("s") * NC + lax.axis_index("c")
    ld_ex = pltpu.async_copy(emb_x_hbm.at[wid], ex_v, insem)
    ld_ey0 = pltpu.async_copy(
        emb_y_hbm.at[pl.ds(0, H0)], ey_v.at[pl.ds(0, H0)], insem
    )
    ld_ey1 = pltpu.async_copy(
        emb_y_hbm.at[pl.ds(H0, H - H0)], ey_v.at[pl.ds(H0, H - H0)], insem2
    )
    ld_ex.wait()
    ld_ey0.wait()

    def yloop(y, carry):
        for c in range(NCHUNK):
            sl = pl.ds(c * LANES, LANES)
            z_v[y, sl] = ex_v[sl] * ey_v[y, sl]
        return carry

    lax.fori_loop(0, H0, yloop, 0)
    first = [
        pltpu.async_copy(
            z_v.at[pl.ds(0, H0)], out_hbm.at[b, pl.ds(wid * H, H0)], outsem
        )
        for b in range(B)
    ]
    ld_ey1.wait()
    lax.fori_loop(H0, H, yloop, 0)
    second = [
        pltpu.async_copy(
            z_v.at[pl.ds(H0, H - H0)],
            out_hbm.at[b, pl.ds(wid * H + H0, H - H0)],
            outsem,
        )
        for b in range(B)
    ]
    for cp in first + second:
        cp.wait()


@jax.jit
def _position_embedding(emb_x_table, emb_y_table):
    mesh = plsc.VectorSubcoreMesh(
        core_axis_name="c", subcore_axis_name="s", num_cores=NC, num_subcores=NS
    )
    run = functools.partial(
        pl.kernel,
        out_type=jax.ShapeDtypeStruct((B, W * H, DIM), jnp.float32),
        mesh=mesh,
        scratch_types=[
            pltpu.VMEM((DIM,), jnp.float32),
            pltpu.VMEM((H, DIM), jnp.float32),
            pltpu.VMEM((H, DIM), jnp.float32),
            pltpu.SemaphoreType.DMA,
            pltpu.SemaphoreType.DMA,
            pltpu.SemaphoreType.DMA,
        ],
    )(_body)
    return run(emb_x_table, emb_y_table)


def kernel(patches, emb_x_table, emb_y_table):
    del patches
    return _position_embedding(emb_x_table, emb_y_table)

# --- scband reference (transcript-rebuilt; emitter-appended) ---
"""Pipeline reference for scband-position-embedding-44281112822548 (READ-ONLY COPY).

The authoritative reference and input builder live on the scoring server;
editing this copy changes nothing except your own understanding.
"""

import jax, jax.numpy as jnp
import numpy as np

DIM = 384
MAX_INT = 512

def setup_inputs(seed: int = 0) -> dict:
    key = jax.random.key(seed)
    k1, k2, k3 = jax.random.split(key, 3)
    patches = jax.random.normal(k1, (8, 32, 32, 384), dtype=jnp.float32)
    # Keras Embedding default init: uniform(-0.05, 0.05)
    emb_x_table = jax.random.uniform(k2, (MAX_INT, DIM), dtype=jnp.float32, minval=-0.05, maxval=0.05)
    emb_y_table = jax.random.uniform(k3, (MAX_INT, DIM), dtype=jnp.float32, minval=-0.05, maxval=0.05)
    return {"patches": patches, "emb_x_table": emb_x_table, "emb_y_table": emb_y_table}

def reference(patches, emb_x_table, emb_y_table):
    b, w, h = patches.shape[0], patches.shape[1], patches.shape[2]
    pose_x = jnp.arange(w)[None, :]
    pose_y = jnp.arange(h)[None, :]
    pose_x = jnp.repeat(pose_x, b, axis=0)
    pose_y = jnp.repeat(pose_y, b, axis=0)
    ex = jnp.take(emb_x_table, pose_x, axis=0)[:, :, None, :]
    ey = jnp.take(emb_y_table, pose_y, axis=0)[:, None, :, :]
    z = ex * ey
    z = z.reshape(z.shape[0], -1, z.shape[-1])
    return z

if __name__ == "__main__":
    import jax
    _d = setup_inputs()
    print(jax.jit(kernel)(*tuple(_d.values())))

</pallas_src>

<mosaic_0001>
#map = affine_map<(d0, d1) -> (0, 0)>
#map1 = affine_map<(d0, d1) -> (0, 0, 0)>
module attributes {stable_mosaic.version = 14 : i64} {
  func.func @_body(%arg0: i32, %arg1: i32, %arg2: memref<512x384xf32, #tpu.memory_space<hbm>>, %arg3: memref<512x384xf32, #tpu.memory_space<hbm>>, %arg4: memref<8x1024x384xf32, #tpu.memory_space<hbm>>, %arg5: memref<384xf32, #tpu.memory_space<vmem>>, %arg6: memref<32x384xf32, #tpu.memory_space<vmem>>, %arg7: memref<32x384xf32, #tpu.memory_space<vmem>>, %arg8: memref<!tpu.dma_semaphore, #tpu.memory_space<semaphore_mem>>, %arg9: memref<!tpu.dma_semaphore, #tpu.memory_space<semaphore_mem>>, %arg10: memref<!tpu.dma_semaphore, #tpu.memory_space<semaphore_mem>>) attributes {dimension_semantics = [#tpu.dimension_semantics<core_parallel>, #tpu.dimension_semantics<subcore_parallel>], iteration_bounds = array<i64: 2, 16>, scalar_prefetch = 0 : i64, scratch_operands = 6 : i64, tpu.core_type = #tpu.core_type<sc_vector_subcore>, window_params = [{transform_indices = #map}, {transform_indices = #map}, {transform_indices = #map1}]} {
    %mul3A = arith.constant 2 : i32
    %mul3A_0 = arith.muli %arg1, %mul3A : i32
    %add3A = arith.addi %mul3A_0, %arg0 : i32
    %dma_start3A = arith.constant 0 : i32
    %dma_start3A_1 = tpu.memref_slice %arg2[%add3A, %dma_start3A] : memref<512x384xf32, #tpu.memory_space<hbm>> -> memref<1x384xf32, #tpu.memory_space<hbm>>
    %dma_start3A_2 = tpu.memref_squeeze %dma_start3A_1 : memref<1x384xf32, #tpu.memory_space<hbm>> -> memref<384xf32, #tpu.memory_space<hbm>>
    %dma_start3A_3 = arith.constant 0 : i32
    %dma_start3A_4 = tpu.memref_slice %arg2[%add3A, %dma_start3A_3] : memref<512x384xf32, #tpu.memory_space<hbm>> -> memref<1x384xf32, #tpu.memory_space<hbm>>
    %dma_start3A_5 = tpu.memref_squeeze %dma_start3A_4 : memref<1x384xf32, #tpu.memory_space<hbm>> -> memref<384xf32, #tpu.memory_space<hbm>>
    tpu.enqueue_dma source(%dma_start3A_5 : memref<384xf32, #tpu.memory_space<hbm>>) target(%arg5 : memref<384xf32, #tpu.memory_space<vmem>>) target_semaphore(%arg8 : memref<!tpu.dma_semaphore, #tpu.memory_space<semaphore_mem>>)
    %dma_start3A_6 = arith.constant 0 : i32
    %dma_start3A_7 = arith.constant 0 : i32
    %dma_start3A_8 = tpu.memref_slice %arg6[%dma_start3A_6, %dma_start3A_7] : memref<32x384xf32, #tpu.memory_space<vmem>> -> memref<16x384xf32, #tpu.memory_space<vmem>>
    %dma_start3A_9 = arith.constant 0 : i32
    %dma_start3A_10 = arith.constant 0 : i32
    %dma_start3A_11 = tpu.memref_slice %arg3[%dma_start3A_9, %dma_start3A_10] : memref<512x384xf32, #tpu.memory_space<hbm>> -> memref<16x384xf32, #tpu.memory_space<hbm>>
    %dma_start3A_12 = arith.constant 0 : i32
    %dma_start3A_13 = arith.constant 0 : i32
    %dma_start3A_14 = tpu.memref_slice %arg6[%dma_start3A_12, %dma_start3A_13] : memref<32x384xf32, #tpu.memory_space<vmem>> -> memref<16x384xf32, #tpu.memory_space<vmem>>
    %dma_start3A_15 = arith.constant 0 : i32
    %dma_start3A_16 = arith.constant 0 : i32
    %dma_start3A_17 = tpu.memref_slice %arg3[%dma_start3A_15, %dma_start3A_16] : memref<512x384xf32, #tpu.memory_space<hbm>> -> memref<16x384xf32, #tpu.memory_space<hbm>>
    tpu.enqueue_dma source(%dma_start3A_17 : memref<16x384xf32, #tpu.memory_space<hbm>>) target(%dma_start3A_14 : memref<16x384xf32, #tpu.memory_space<vmem>>) target_semaphore(%arg8 : memref<!tpu.dma_semaphore, #tpu.memory_space<semaphore_mem>>)
    %dma_start3A_18 = arith.constant 16 : i32
    %dma_start3A_19 = arith.constant 0 : i32
    %dma_start3A_20 = tpu.memref_slice %arg6[%dma_start3A_18, %dma_start3A_19] : memref<32x384xf32, #tpu.memory_space<vmem>> -> memref<16x384xf32, #tpu.memory_space<vmem>>
    %dma_start3A_21 = arith.constant 16 : i32
    %dma_start3A_22 = arith.constant 0 : i32
    %dma_start3A_23 = tpu.memref_slice %arg3[%dma_start3A_21, %dma_start3A_22] : memref<512x384xf32, #tpu.memory_space<hbm>> -> memref<16x384xf32, #tpu.memory_space<hbm>>
    %dma_start3A_24 = arith.constant 16 : i32
    %dma_start3A_25 = arith.constant 0 : i32
    %dma_start3A_26 = tpu.memref_slice %arg6[%dma_start3A_24, %dma_start3A_25] : memref<32x384xf32, #tpu.memory_space<vmem>> -> memref<16x384xf32, #tpu.memory_space<vmem>>
    %dma_start3A_27 = arith.constant 16 : i32
    %dma_start3A_28 = arith.constant 0 : i32
    %dma_start3A_29 = tpu.memref_slice %arg3[%dma_start3A_27, %dma_start3A_28] : memref<512x384xf32, #tpu.memory_space<hbm>> -> memref<16x384xf32, #tpu.memory_space<hbm>>
    tpu.enqueue_dma source(%dma_start3A_29 : memref<16x384xf32, #tpu.memory_space<hbm>>) target(%dma_start3A_26 : memref<16x384xf32, #tpu.memory_space<vmem>>) target_semaphore(%arg9 : memref<!tpu.dma_semaphore, #tpu.memory_space<semaphore_mem>>)
    %dma_wait3A = arith.constant 0 : i32
    %dma_wait3A_30 = tpu.memref_slice %arg2[%add3A, %dma_wait3A] : memref<512x384xf32, #tpu.memory_space<hbm>> -> memref<1x384xf32, #tpu.memory_space<hbm>>
    %dma_wait3A_31 = tpu.memref_squeeze %dma_wait3A_30 : memref<1x384xf32, #tpu.memory_space<hbm>> -> memref<384xf32, #tpu.memory_space<hbm>>
    %dma_wait3A_32 = arith.constant 0 : i32
    %dma_wait3A_33 = tpu.memref_slice %arg2[%add3A, %dma_wait3A_32] : memref<512x384xf32, #tpu.memory_space<hbm>> -> memref<1x384xf32, #tpu.memory_space<hbm>>
    %dma_wait3A_34 = tpu.memref_squeeze %dma_wait3A_33 : memref<1x384xf32, #tpu.memory_space<hbm>> -> memref<384xf32, #tpu.memory_space<hbm>>
    tpu.wait_dma2 semaphore(%arg8 : memref<!tpu.dma_semaphore, #tpu.memory_space<semaphore_mem>>) src(%dma_wait3A_34 : memref<384xf32, #tpu.memory_space<hbm>>) dst(%arg5 : memref<384xf32, #tpu.memory_space<vmem>>)
    %dma_wait3A_35 = arith.constant 0 : i32
    %dma_wait3A_36 = arith.constant 0 : i32
    %dma_wait3A_37 = tpu.memref_slice %arg6[%dma_wait3A_35, %dma_wait3A_36] : memref<32x384xf32, #tpu.memory_space<vmem>> -> memref<16x384xf32, #tpu.memory_space<vmem>>
    %dma_wait3A_38 = arith.constant 0 : i32
    %dma_wait3A_39 = arith.constant 0 : i32
    %dma_wait3A_40 = tpu.memref_slice %arg3[%dma_wait3A_38, %dma_wait3A_39] : memref<512x384xf32, #tpu.memory_space<hbm>> -> memref<16x384xf32, #tpu.memory_space<hbm>>
    %dma_wait3A_41 = arith.constant 0 : i32
    %dma_wait3A_42 = arith.constant 0 : i32
    %dma_wait3A_43 = tpu.memref_slice %arg6[%dma_wait3A_41, %dma_wait3A_42] : memref<32x384xf32, #tpu.memory_space<vmem>> -> memref<16x384xf32, #tpu.memory_space<vmem>>
    %dma_wait3A_44 = arith.constant 0 : i32
    %dma_wait3A_45 = arith.constant 0 : i32
    %dma_wait3A_46 = tpu.memref_slice %arg3[%dma_wait3A_44, %dma_wait3A_45] : memref<512x384xf32, #tpu.memory_space<hbm>> -> memref<16x384xf32, #tpu.memory_space<hbm>>
    tpu.wait_dma2 semaphore(%arg8 : memref<!tpu.dma_semaphore, #tpu.memory_space<semaphore_mem>>) src(%dma_wait3A_46 : memref<16x384xf32, #tpu.memory_space<hbm>>) dst(%dma_wait3A_43 : memref<16x384xf32, #tpu.memory_space<vmem>>)
    %scan3A = arith.constant 0 : i32
    %scan3A_47 = arith.constant 0 : i32
    %scan3A_48 = arith.constant 16 : i32
    %scan3A_49 = arith.addi %scan3A_47, %scan3A_48 : i32
    %scan3A_50 = arith.constant 1 : i32
    scf.for %scan3A_534 = %scan3A_47 to %scan3A_49 step %scan3A_50  : i32 {
      %get3A = arith.constant 0 : index
      %get3A_535 = tpu.vector_load %arg5[%get3A] {strides = array<i32>} : memref<384xf32, #tpu.memory_space<vmem>>, vector<16xf32>,
      %get3A_536 = vector.shape_cast %get3A_535 : vector<16xf32> to vector<16xf32>
      %get3A_537 = arith.index_cast %scan3A_534 : i32 to index
      %get3A_538 = arith.constant 0 : index
      %get3A_539 = tpu.vector_load %arg6[%get3A_537, %get3A_538] {strides = array<i32>} : memref<32x384xf32, #tpu.memory_space<vmem>>, vector<1x16xf32>,
      %get3A_540 = vector.shape_cast %get3A_539 : vector<1x16xf32> to vector<16xf32>
      %mul3A_541 = arith.mulf %get3A_536, %get3A_540 : vector<16xf32>
      %swap3A = arith.index_cast %scan3A_534 : i32 to index
      %swap3A_542 = arith.constant 0 : index
      %swap3A_543 = tpu.vector_load %arg7[%swap3A, %swap3A_542] {strides = array<i32>} : memref<32x384xf32, #tpu.memory_space<vmem>>, vector<1x16xf32>,
      %swap3A_544 = vector.shape_cast %swap3A_543 : vector<1x16xf32> to vector<16xf32>
      %swap3A_545 = vector.shape_cast %mul3A_541 : vector<16xf32> to vector<1x16xf32>
      tpu.vector_store %arg7[%swap3A, %swap3A_542], %swap3A_545 {strides = array<i32>} : memref<32x384xf32, #tpu.memory_space<vmem>>, vector<1x16xf32>,
      %get3A_546 = arith.constant 16 : index
      %get3A_547 = tpu.vector_load %arg5[%get3A_546] {strides = array<i32>} : memref<384xf32, #tpu.memory_space<vmem>>, vector<16xf32>,
      %get3A_548 = vector.shape_cast %get3A_547 : vector<16xf32> to vector<16xf32>
      %get3A_549 = arith.index_cast %scan3A_534 : i32 to index
      %get3A_550 = arith.constant 16 : index
      %get3A_551 = tpu.vector_load %arg6[%get3A_549, %get3A_550] {strides = array<i32>} : memref<32x384xf32, #tpu.memory_space<vmem>>, vector<1x16xf32>,
      %get3A_552 = vector.shape_cast %get3A_551 : vector<1x16xf32> to vector<16xf32>
      %mul3A_553 = arith.mulf %get3A_548, %get3A_552 : vector<16xf32>
      %swap3A_554 = arith.index_cast %scan3A_534 : i32 to index
      %swap3A_555 = arith.constant 16 : index
      %swap3A_556 = tpu.vector_load %arg7[%swap3A_554, %swap3A_555] {strides = array<i32>} : memref<32x384xf32, #tpu.memory_space<vmem>>, vector<1x16xf32>,
      %swap3A_557 = vector.shape_cast %swap3A_556 : vector<1x16xf32> to vector<16xf32>
      %swap3A_558 = vector.shape_cast %mul3A_553 : vector<16xf32> to vector<1x16xf32>
      tpu.vector_store %arg7[%swap3A_554, %swap3A_555], %swap3A_558 {strides = array<i32>} : memref<32x384xf32, #tpu.memory_space<vmem>>, vector<1x16xf32>,
      %get3A_559 = arith.constant 32 : index
      %get3A_560 = tpu.vector_load %arg5[%get3A_559] {strides = array<i32>} : memref<384xf32, #tpu.memory_space<vmem>>, vector<16xf32>,
      %get3A_561 = vector.shape_cast %get3A_560 : vector<16xf32> to vector<16xf32>
      %get3A_562 = arith.index_cast %scan3A_534 : i32 to index
      %get3A_563 = arith.constant 32 : index
      %get3A_564 = tpu.vector_load %arg6[%get3A_562, %get3A_563] {strides = array<i32>} : memref<32x384xf32, #tpu.memory_space<vmem>>, vector<1x16xf32>,
      %get3A_565 = vector.shape_cast %get3A_564 : vector<1x16xf32> to vector<16xf32>
      %mul3A_566 = arith.mulf %get3A_561, %get3A_565 : vector<16xf32>
      %swap3A_567 = arith.index_cast %scan3A_534 : i32 to index
      %swap3A_568 = arith.constant 32 : index
      %swap3A_569 = tpu.vector_load %arg7[%swap3A_567, %swap3A_568] {strides = array<i32>} : memref<32x384xf32, #tpu.memory_space<vmem>>, vector<1x16xf32>,
      %swap3A_570 = vector.shape_cast %swap3A_569 : vector<1x16xf32> to vector<16xf32>
      %swap3A_571 = vector.shape_cast %mul3A_566 : vector<16xf32> to vector<1x16xf32>
      tpu.vector_store %arg7[%swap3A_567, %swap3A_568], %swap3A_571 {strides = array<i32>} : memref<32x384xf32, #tpu.memory_space<vmem>>, vector<1x16xf32>,
      %get3A_572 = arith.constant 48 : index
      %get3A_573 = tpu.vector_load %arg5[%get3A_572] {strides = array<i32>} : memref<384xf32, #tpu.memory_space<vmem>>, vector<16xf32>,
      %get3A_574 = vector.shape_cast %get3A_573 : vector<16xf32> to vector<16xf32>
      %get3A_575 = arith.index_cast %scan3A_534 : i32 to index
      %get3A_576 = arith.constant 48 : index
      %get3A_577 = tpu.vector_load %arg6[%get3A_575, %get3A_576] {strides = array<i32>} : memref<32x384xf32, #tpu.memory_space<vmem>>, vector<1x16xf32>,
      %get3A_578 = vector.shape_cast %get3A_577 : vector<1x16xf32> to vector<16xf32>
      %mul3A_579 = arith.mulf %get3A_574, %get3A_578 : vector<16xf32>
      %swap3A_580 = arith.index_cast %scan3A_534 : i32 to index
      %swap3A_581 = arith.constant 48 : index
      %swap3A_582 = tpu.vector_load %arg7[%swap3A_580, %swap3A_581] {strides = array<i32>} : memref<32x384xf32, #tpu.memory_space<vmem>>, vector<1x16xf32>,
      %swap3A_583 = vector.shape_cast %swap3A_582 : vector<1x16xf32> to vector<16xf32>
      %swap3A_584 = vector.shape_cast %mul3A_579 : vector<16xf32> to vector<1x16xf32>
      tpu.vector_store %arg7[%swap3A_580, %swap3A_581], %swap3A_584 {strides = array<i32>} : memref<32x384xf32, #tpu.memory_space<vmem>>, vector<1x16xf32>,
      %get3A_585 = arith.constant 64 : index
      %get3A_586 = tpu.vector_load %arg5[%get3A_585] {strides = array<i32>} : memref<384xf32, #tpu.memory_space<vmem>>, vector<16xf32>,
      %get3A_587 = vector.shape_cast %get3A_586 : vector<16xf32> to vector<16xf32>
      %get3A_588 = arith.index_cast %scan3A_534 : i32 to index
      %get3A_589 = arith.constant 64 : index
      %get3A_590 = tpu.vector_load %arg6[%get3A_588, %get3A_589] {strides = array<i32>} : memref<32x384xf32, #tpu.memory_space<vmem>>, vector<1x16xf32>,
      %get3A_591 = vector.shape_cast %get3A_590 : vector<1x16xf32> to vector<16xf32>
      %mul3A_592 = arith.mulf %get3A_587, %get3A_591 : vector<16xf32>
      %swap3A_593 = arith.index_cast %scan3A_534 : i32 to index
      %swap3A_594 = arith.constant 64 : index
      %swap3A_595 = tpu.vector_load %arg7[%swap3A_593, %swap3A_594] {strides = array<i32>} : memref<32x384xf32, #tpu.memory_space<vmem>>, vector<1x16xf32>,
      %swap3A_596 = vector.shape_cast %swap3A_595 : vector<1x16xf32> to vector<16xf32>
      %swap3A_597 = vector.shape_cast %mul3A_592 : vector<16xf32> to vector<1x16xf32>
      tpu.vector_store %arg7[%swap3A_593, %swap3A_594], %swap3A_597 {strides = array<i32>} : memref<32x384xf32, #tpu.memory_space<vmem>>, vector<1x16xf32>,
      %get3A_598 = arith.constant 80 : index
      %get3A_599 = tpu.vector_load %arg5[%get3A_598] {strides = array<i32>} : memref<384xf32, #tpu.memory_space<vmem>>, vector<16xf32>,
      %get3A_600 = vector.shape_cast %get3A_599 : vector<16xf32> to vector<16xf32>
      %get3A_601 = arith.index_cast %scan3A_534 : i32 to index
      %get3A_602 = arith.constant 80 : index
      %get3A_603 = tpu.vector_load %arg6[%get3A_601, %get3A_602] {strides = array<i32>} : memref<32x384xf32, #tpu.memory_space<vmem>>, vector<1x16xf32>,
      %get3A_604 = vector.shape_cast %get3A_603 : vector<1x16xf32> to vector<16xf32>
      %mul3A_605 = arith.mulf %get3A_600, %get3A_604 : vector<16xf32>
      %swap3A_606 = arith.index_cast %scan3A_534 : i32 to index
      %swap3A_607 = arith.constant 80 : index
      %swap3A_608 = tpu.vector_load %arg7[%swap3A_606, %swap3A_607] {strides = array<i32>} : memref<32x384xf32, #tpu.memory_space<vmem>>, vector<1x16xf32>,
      %swap3A_609 = vector.shape_cast %swap3A_608 : vector<1x16xf32> to vector<16xf32>
      %swap3A_610 = vector.shape_cast %mul3A_605 : vector<16xf32> to vector<1x16xf32>
      tpu.vector_store %arg7[%swap3A_606, %swap3A_607], %swap3A_610 {strides = array<i32>} : memref<32x384xf32, #tpu.memory_space<vmem>>, vector<1x16xf32>,
      %get3A_611 = arith.constant 96 : index
      %get3A_612 = tpu.vector_load %arg5[%get3A_611] {strides = array<i32>} : memref<384xf32, #tpu.memory_space<vmem>>, vector<16xf32>,
      %get3A_613 = vector.shape_cast %get3A_612 : vector<16xf32> to vector<16xf32>
      %get3A_614 = arith.index_cast %scan3A_534 : i32 to index
      %get3A_615 = arith.constant 96 : index
      %get3A_616 = tpu.vector_load %arg6[%get3A_614, %get3A_615] {strides = array<i32>} : memref<32x384xf32, #tpu.memory_space<vmem>>, vector<1x16xf32>,
      %get3A_617 = vector.shape_cast %get3A_616 : vector<1x16xf32> to vector<16xf32>
      %mul3A_618 = arith.mulf %get3A_613, %get3A_617 : vector<16xf32>
      %swap3A_619 = arith.index_cast %scan3A_534 : i32 to index
      %swap3A_620 = arith.constant 96 : index
      %swap3A_621 = tpu.vector_load %arg7[%swap3A_619, %swap3A_620] {strides = array<i32>} : memref<32x384xf32, #tpu.memory_space<vmem>>, vector<1x16xf32>,
      %swap3A_622 = vector.shape_cast %swap3A_621 : vector<1x16xf32> to vector<16xf32>
      %swap3A_623 = vector.shape_cast %mul3A_618 : vector<16xf32> to vector<1x16xf32>
      tpu.vector_store %arg7[%swap3A_619, %swap3A_620], %swap3A_623 {strides = array<i32>} : memref<32x384xf32, #tpu.memory_space<vmem>>, vector<1x16xf32>,
      %get3A_624 = arith.constant 112 : index
      %get3A_625 = tpu.vector_load %arg5[%get3A_624] {strides = array<i32>} : memref<384xf32, #tpu.memory_space<vmem>>, vector<16xf32>,
      %get3A_626 = vector.shape_cast %get3A_625 : vector<16xf32> to vector<16xf32>
      %get3A_627 = arith.index_cast %scan3A_534 : i32 to index
      %get3A_628 = arith.constant 112 : index
      %get3A_629 = tpu.vector_load %arg6[%get3A_627, %get3A_628] {strides = array<i32>} : memref<32x384xf32, #tpu.memory_space<vmem>>, vector<1x16xf32>,
      %get3A_630 = vector.shape_cast %get3A_629 : vector<1x16xf32> to vector<16xf32>
      %mul3A_631 = arith.mulf %get3A_626, %get3A_630 : vector<16xf32>
      %swap3A_632 = arith.index_cast %scan3A_534 : i32 to index
      %swap3A_633 = arith.constant 112 : index
      %swap3A_634 = tpu.vector_load %arg7[%swap3A_632, %swap3A_633] {strides = array<i32>} : memref<32x384xf32, #tpu.memory_space<vmem>>, vector<1x16xf32>,
      %swap3A_635 = vector.shape_cast %swap3A_634 : vector<1x16xf32> to vector<16xf32>
      %swap3A_636 = vector.shape_cast %mul3A_631 : vector<16xf32> to vector<1x16xf32>
      tpu.vector_store %arg7[%swap3A_632, %swap3A_633], %swap3A_636 {strides = array<i32>} : memref<32x384xf32, #tpu.memory_space<vmem>>, vector<1x16xf32>,
      %get3A_637 = arith.constant 128 : index
      %get3A_638 = tpu.vector_load %arg5[%get3A_637] {strides = array<i32>} : memref<384xf32, #tpu.memory_space<vmem>>, vector<16xf32>,
      %get3A_639 = vector.shape_cast %get3A_638 : vector<16xf32> to vector<16xf32>
      %get3A_640 = arith.index_cast %scan3A_534 : i32 to index
      %get3A_641 = arith.constant 128 : index
      %get3A_642 = tpu.vector_load %arg6[%get3A_640, %get3A_641] {strides = array<i32>} : memref<32x384xf32, #tpu.memory_space<vmem>>, vector<1x16xf32>,
      %get3A_643 = vector.shape_cast %get3A_642 : vector<1x16xf32> to vector<16xf32>
      %mul3A_644 = arith.mulf %get3A_639, %get3A_643 : vector<16xf32>
      %swap3A_645 = arith.index_cast %scan3A_534 : i32 to index
      %swap3A_646 = arith.constant 128 : index
      %swap3A_647 = tpu.vector_load %arg7[%swap3A_645, %swap3A_646] {strides = array<i32>} : memref<32x384xf32, #tpu.memory_space<vmem>>, vector<1x16xf32>,
      %swap3A_648 = vector.shape_cast %swap3A_647 : vector<1x16xf32> to vector<16xf32>
      %swap3A_649 = vector.shape_cast %mul3A_644 : vector<16xf32> to vector<1x16xf32>
      tpu.vector_store %arg7[%swap3A_645, %swap3A_646], %swap3A_649 {strides = array<i32>} : memref<32x384xf32, #tpu.memory_space<vmem>>, vector<1x16xf32>,
      %get3A_650 = arith.constant 144 : index
      %get3A_651 = tpu.vector_load %arg5[%get3A_650] {strides = array<i32>} : memref<384xf32, #tpu.memory_space<vmem>>, vector<16xf32>,
      %get3A_652 = vector.shape_cast %get3A_651 : vector<16xf32> to vector<16xf32>
      %get3A_653 = arith.index_cast %scan3A_534 : i32 to index
      %get3A_654 = arith.constant 144 : index
      %get3A_655 = tpu.vector_load %arg6[%get3A_653, %get3A_654] {strides = array<i32>} : memref<32x384xf32, #tpu.memory_space<vmem>>, vector<1x16xf32>,
      %get3A_656 = vector.shape_cast %get3A_655 : vector<1x16xf32> to vector<16xf32>
      %mul3A_657 = arith.mulf %get3A_652, %get3A_656 : vector<16xf32>
      %swap3A_658 = arith.index_cast %scan3A_534 : i32 to index
      %swap3A_659 = arith.constant 144 : index
      %swap3A_660 = tpu.vector_load %arg7[%swap3A_658, %swap3A_659] {strides = array<i32>} : memref<32x384xf32, #tpu.memory_space<vmem>>, vector<1x16xf32>,
      %swap3A_661 = vector.shape_cast %swap3A_660 : vector<1x16xf32> to vector<16xf32>
      %swap3A_662 = vector.shape_cast %mul3A_657 : vector<16xf32> to vector<1x16xf32>
      tpu.vector_store %arg7[%swap3A_658, %swap3A_659], %swap3A_662 {strides = array<i32>} : memref<32x384xf32, #tpu.memory_space<vmem>>, vector<1x16xf32>,
      %get3A_663 = arith.constant 160 : index
      %get3A_664 = tpu.vector_load %arg5[%get3A_663] {strides = array<i32>} : memref<384xf32, #tpu.memory_space<vmem>>, vector<16xf32>,
      %get3A_665 = vector.shape_cast %get3A_664 : vector<16xf32> to vector<16xf32>
      %get3A_666 = arith.index_cast %scan3A_534 : i32 to index
      %get3A_667 = arith.constant 160 : index
      %get3A_668 = tpu.vector_load %arg6[%get3A_666, %get3A_667] {strides = array<i32>} : memref<32x384xf32, #tpu.memory_space<vmem>>, vector<1x16xf32>,
      %get3A_669 = vector.shape_cast %get3A_668 : vector<1x16xf32> to vector<16xf32>
      %mul3A_670 = arith.mulf %get3A_665, %get3A_669 : vector<16xf32>
      %swap3A_671 = arith.index_cast %scan3A_534 : i32 to index
      %swap3A_672 = arith.constant 160 : index
      %swap3A_673 = tpu.vector_load %arg7[%swap3A_671, %swap3A_672] {strides = array<i32>} : memref<32x384xf32, #tpu.memory_space<vmem>>, vector<1x16xf32>,
      %swap3A_674 = vector.shape_cast %swap3A_673 : vector<1x16xf32> to vector<16xf32>
      %swap3A_675 = vector.shape_cast %mul3A_670 : vector<16xf32> to vector<1x16xf32>
      tpu.vector_store %arg7[%swap3A_671, %swap3A_672], %swap3A_675 {strides = array<i32>} : memref<32x384xf32, #tpu.memory_space<vmem>>, vector<1x16xf32>,
      %get3A_676 = arith.constant 176 : index
      %get3A_677 = tpu.vector_load %arg5[%get3A_676] {strides = array<i32>} : memref<384xf32, #tpu.memory_space<vmem>>, vector<16xf32>,
      %get3A_678 = vector.shape_cast %get3A_677 : vector<16xf32> to vector<16xf32>
      %get3A_679 = arith.index_cast %scan3A_534 : i32 to index
      %get3A_680 = arith.constant 176 : index
      %get3A_681 = tpu.vector_load %arg6[%get3A_679, %get3A_680] {strides = array<i32>} : memref<32x384xf32, #tpu.memory_space<vmem>>, vector<1x16xf32>,
      %get3A_682 = vector.shape_cast %get3A_681 : vector<1x16xf32> to vector<16xf32>
      %mul3A_683 = arith.mulf %get3A_678, %get3A_682 : vector<16xf32>
      %swap3A_684 = arith.index_cast %scan3A_534 : i32 to index
      %swap3A_685 = arith.constant 176 : index
      %swap3A_686 = tpu.vector_load %arg7[%swap3A_684, %swap3A_685] {strides = array<i32>} : memref<32x384xf32, #tpu.memory_space<vmem>>, vector<1x16xf32>,
      %swap3A_687 = vector.shape_cast %swap3A_686 : vector<1x16xf32> to vector<16xf32>
      %swap3A_688 = vector.shape_cast %mul3A_683 : vector<16xf32> to vector<1x16xf32>
      tpu.vector_store %arg7[%swap3A_684, %swap3A_685], %swap3A_688 {strides = array<i32>} : memref<32x384xf32, #tpu.memory_space<vmem>>, vector<1x16xf32>,
      %get3A_689 = arith.constant 192 : index
      %get3A_690 = tpu.vector_load %arg5[%get3A_689] {strides = array<i32>} : memref<384xf32, #tpu.memory_space<vmem>>, vector<16xf32>,
      %get3A_691 = vector.shape_cast %get3A_690 : vector<16xf32> to vector<16xf32>
      %get3A_692 = arith.index_cast %scan3A_534 : i32 to index
      %get3A_693 = arith.constant 192 : index
      %get3A_694 = tpu.vector_load %arg6[%get3A_692, %get3A_693] {strides = array<i32>} : memref<32x384xf32, #tpu.memory_space<vmem>>, vector<1x16xf32>,
      %get3A_695 = vector.shape_cast %get3A_694 : vector<1x16xf32> to vector<16xf32>
      %mul3A_696 = arith.mulf %get3A_691, %get3A_695 : vector<16xf32>
      %swap3A_697 = arith.index_cast %scan3A_534 : i32 to index
      %swap3A_698 = arith.constant 192 : index
      %swap3A_699 = tpu.vector_load %arg7[%swap3A_697, %swap3A_698] {strides = array<i32>} : memref<32x384xf32, #tpu.memory_space<vmem>>, vector<1x16xf32>,
      %swap3A_700 = vector.shape_cast %swap3A_699 : vector<1x16xf32> to vector<16xf32>
      %swap3A_701 = vector.shape_cast %mul3A_696 : vector<16xf32> to vector<1x16xf32>
      tpu.vector_store %arg7[%swap3A_697, %swap3A_698], %swap3A_701 {strides = array<i32>} : memref<32x384xf32, #tpu.memory_space<vmem>>, vector<1x16xf32>,
      %get3A_702 = arith.constant 208 : index
      %get3A_703 = tpu.vector_load %arg5[%get3A_702] {strides = array<i32>} : memref<384xf32, #tpu.memory_space<vmem>>, vector<16xf32>,
      %get3A_704 = vector.shape_cast %get3A_703 : vector<16xf32> to vector<16xf32>
      %get3A_705 = arith.index_cast %scan3A_534 : i32 to index
      %get3A_706 = arith.constant 208 : index
      %get3A_707 = tpu.vector_load %arg6[%get3A_705, %get3A_706] {strides = array<i32>} : memref<32x384xf32, #tpu.memory_space<vmem>>, vector<1x16xf32>,
      %get3A_708 = vector.shape_cast %get3A_707 : vector<1x16xf32> to vector<16xf32>
      %mul3A_709 = arith.mulf %get3A_704, %get3A_708 : vector<16xf32>
      %swap3A_710 = arith.index_cast %scan3A_534 : i32 to index
      %swap3A_711 = arith.constant 208 : index
      %swap3A_712 = tpu.vector_load %arg7[%swap3A_710, %swap3A_711] {strides = array<i32>} : memref<32x384xf32, #tpu.memory_space<vmem>>, vector<1x16xf32>,
      %swap3A_713 = vector.shape_cast %swap3A_712 : vector<1x16xf32> to vector<16xf32>
      %swap3A_714 = vector.shape_cast %mul3A_709 : vector<16xf32> to vector<1x16xf32>
      tpu.vector_store %arg7[%swap3A_710, %swap3A_711], %swap3A_714 {strides = array<i32>} : memref<32x384xf32, #tpu.memory_space<vmem>>, vector<1x16xf32>,
      %get3A_715 = arith.constant 224 : index
      %get3A_716 = tpu.vector_load %arg5[%get3A_715] {strides = array<i32>} : memref<384xf32, #tpu.memory_space<vmem>>, vector<16xf32>,
      %get3A_717 = vector.shape_cast %get3A_716 : vector<16xf32> to vector<16xf32>
      %get3A_718 = arith.index_cast %scan3A_534 : i32 to index
      %get3A_719 = arith.constant 224 : index
      %get3A_720 = tpu.vector_load %arg6[%get3A_718, %get3A_719] {strides = array<i32>} : memref<32x384xf32, #tpu.memory_space<vmem>>, vector<1x16xf32>,
      %get3A_721 = vector.shape_cast %get3A_720 : vector<1x16xf32> to vector<16xf32>
      %mul3A_722 = arith.mulf %get3A_717, %get3A_721 : vector<16xf32>
      %swap3A_723 = arith.index_cast %scan3A_534 : i32 to index
      %swap3A_724 = arith.constant 224 : index
      %swap3A_725 = tpu.vector_load %arg7[%swap3A_723, %swap3A_724] {strides = array<i32>} : memref<32x384xf32, #tpu.memory_space<vmem>>, vector<1x16xf32>,
      %swap3A_726 = vector.shape_cast %swap3A_725 : vector<1x16xf32> to vector<16xf32>
      %swap3A_727 = vector.shape_cast %mul3A_722 : vector<16xf32> to vector<1x16xf32>
      tpu.vector_store %arg7[%swap3A_723, %swap3A_724], %swap3A_727 {strides = array<i32>} : memref<32x384xf32, #tpu.memory_space<vmem>>, vector<1x16xf32>,
      %get3A_728 = arith.constant 240 : index
      %get3A_729 = tpu.vector_load %arg5[%get3A_728] {strides = array<i32>} : memref<384xf32, #tpu.memory_space<vmem>>, vector<16xf32>,
      %get3A_730 = vector.shape_cast %get3A_729 : vector<16xf32> to vector<16xf32>
      %get3A_731 = arith.index_cast %scan3A_534 : i32 to index
      %get3A_732 = arith.constant 240 : index
      %get3A_733 = tpu.vector_load %arg6[%get3A_731, %get3A_732] {strides = array<i32>} : memref<32x384xf32, #tpu.memory_space<vmem>>, vector<1x16xf32>,
      %get3A_734 = vector.shape_cast %get3A_733 : vector<1x16xf32> to vector<16xf32>
      %mul3A_735 = arith.mulf %get3A_730, %get3A_734 : vector<16xf32>
      %swap3A_736 = arith.index_cast %scan3A_534 : i32 to index
      %swap3A_737 = arith.constant 240 : index
      %swap3A_738 = tpu.vector_load %arg7[%swap3A_736, %swap3A_737] {strides = array<i32>} : memref<32x384xf32, #tpu.memory_space<vmem>>, vector<1x16xf32>,
      %swap3A_739 = vector.shape_cast %swap3A_738 : vector<1x16xf32> to vector<16xf32>
      %swap3A_740 = vector.shape_cast %mul3A_735 : vector<16xf32> to vector<1x16xf32>
      tpu.vector_store %arg7[%swap3A_736, %swap3A_737], %swap3A_740 {strides = array<i32>} : memref<32x384xf32, #tpu.memory_space<vmem>>, vector<1x16xf32>,
      %get3A_741 = arith.constant 256 : index
      %get3A_742 = tpu.vector_load %arg5[%get3A_741] {strides = array<i32>} : memref<384xf32, #tpu.memory_space<vmem>>, vector<16xf32>,
      %get3A_743 = vector.shape_cast %get3A_742 : vector<16xf32> to vector<16xf32>
      %get3A_744 = arith.index_cast %scan3A_534 : i32 to index
      %get3A_745 = arith.constant 256 : index
      %get3A_746 = tpu.vector_load %arg6[%get3A_744, %get3A_745] {strides = array<i32>} : memref<32x384xf32, #tpu.memory_space<vmem>>, vector<1x16xf32>,
      %get3A_747 = vector.shape_cast %get3A_746 : vector<1x16xf32> to vector<16xf32>
      %mul3A_748 = arith.mulf %get3A_743, %get3A_747 : vector<16xf32>
      %swap3A_749 = arith.index_cast %scan3A_534 : i32 to index
      %swap3A_750 = arith.constant 256 : index
      %swap3A_751 = tpu.vector_load %arg7[%swap3A_749, %swap3A_750] {strides = array<i32>} : memref<32x384xf32, #tpu.memory_space<vmem>>, vector<1x16xf32>,
      %swap3A_752 = vector.shape_cast %swap3A_751 : vector<1x16xf32> to vector<16xf32>
      %swap3A_753 = vector.shape_cast %mul3A_748 : vector<16xf32> to vector<1x16xf32>
      tpu.vector_store %arg7[%swap3A_749, %swap3A_750], %swap3A_753 {strides = array<i32>} : memref<32x384xf32, #tpu.memory_space<vmem>>, vector<1x16xf32>,
      %get3A_754 = arith.constant 272 : index
      %get3A_755 = tpu.vector_load %arg5[%get3A_754] {strides = array<i32>} : memref<384xf32, #tpu.memory_space<vmem>>, vector<16xf32>,
      %get3A_756 = vector.shape_cast %get3A_755 : vector<16xf32> to vector<16xf32>
      %get3A_757 = arith.index_cast %scan3A_534 : i32 to index
      %get3A_758 = arith.constant 272 : index
      %get3A_759 = tpu.vector_load %arg6[%get3A_757, %get3A_758] {strides = array<i32>} : memref<32x384xf32, #tpu.memory_space<vmem>>, vector<1x16xf32>,
      %get3A_760 = vector.shape_cast %get3A_759 : vector<1x16xf32> to vector<16xf32>
      %mul3A_761 = arith.mulf %get3A_756, %get3A_760 : vector<16xf32>
      %swap3A_762 = arith.index_cast %scan3A_534 : i32 to index
      %swap3A_763 = arith.constant 272 : index
      %swap3A_764 = tpu.vector_load %arg7[%swap3A_762, %swap3A_763] {strides = array<i32>} : memref<32x384xf32, #tpu.memory_space<vmem>>, vector<1x16xf32>,
      %swap3A_765 = vector.shape_cast %swap3A_764 : vector<1x16xf32> to vector<16xf32>
      %swap3A_766 = vector.shape_cast %mul3A_761 : vector<16xf32> to vector<1x16xf32>
      tpu.vector_store %arg7[%swap3A_762, %swap3A_763], %swap3A_766 {strides = array<i32>} : memref<32x384xf32, #tpu.memory_space<vmem>>, vector<1x16xf32>,
      %get3A_767 = arith.constant 288 : index
      %get3A_768 = tpu.vector_load %arg5[%get3A_767] {strides = array<i32>} : memref<384xf32, #tpu.memory_space<vmem>>, vector<16xf32>,
      %get3A_769 = vector.shape_cast %get3A_768 : vector<16xf32> to vector<16xf32>
      %get3A_770 = arith.index_cast %scan3A_534 : i32 to index
      %get3A_771 = arith.constant 288 : index
      %get3A_772 = tpu.vector_load %arg6[%get3A_770, %get3A_771] {strides = array<i32>} : memref<32x384xf32, #tpu.memory_space<vmem>>, vector<1x16xf32>,
      %get3A_773 = vector.shape_cast %get3A_772 : vector<1x16xf32> to vector<16xf32>
      %mul3A_774 = arith.mulf %get3A_769, %get3A_773 : vector<16xf32>
      %swap3A_775 = arith.index_cast %scan3A_534 : i32 to index
      %swap3A_776 = arith.constant 288 : index
      %swap3A_777 = tpu.vector_load %arg7[%swap3A_775, %swap3A_776] {strides = array<i32>} : memref<32x384xf32, #tpu.memory_space<vmem>>, vector<1x16xf32>,
      %swap3A_778 = vector.shape_cast %swap3A_777 : vector<1x16xf32> to vector<16xf32>
      %swap3A_779 = vector.shape_cast %mul3A_774 : vector<16xf32> to vector<1x16xf32>
      tpu.vector_store %arg7[%swap3A_775, %swap3A_776], %swap3A_779 {strides = array<i32>} : memref<32x384xf32, #tpu.memory_space<vmem>>, vector<1x16xf32>,
      %get3A_780 = arith.constant 304 : index
      %get3A_781 = tpu.vector_load %arg5[%get3A_780] {strides = array<i32>} : memref<384xf32, #tpu.memory_space<vmem>>, vector<16xf32>,
      %get3A_782 = vector.shape_cast %get3A_781 : vector<16xf32> to vector<16xf32>
      %get3A_783 = arith.index_cast %scan3A_534 : i32 to index
      %get3A_784 = arith.constant 304 : index
      %get3A_785 = tpu.vector_load %arg6[%get3A_783, %get3A_784] {strides = array<i32>} : memref<32x384xf32, #tpu.memory_space<vmem>>, vector<1x16xf32>,
      %get3A_786 = vector.shape_cast %get3A_785 : vector<1x16xf32> to vector<16xf32>
      %mul3A_787 = arith.mulf %get3A_782, %get3A_786 : vector<16xf32>
      %swap3A_788 = arith.index_cast %scan3A_534 : i32 to index
      %swap3A_789 = arith.constant 304 : index
      %swap3A_790 = tpu.vector_load %arg7[%swap3A_788, %swap3A_789] {strides = array<i32>} : memref<32x384xf32, #tpu.memory_space<vmem>>, vector<1x16xf32>,
      %swap3A_791 = vector.shape_cast %swap3A_790 : vector<1x16xf32> to vector<16xf32>
      %swap3A_792 = vector.shape_cast %mul3A_787 : vector<16xf32> to vector<1x16xf32>
      tpu.vector_store %arg7[%swap3A_788, %swap3A_789], %swap3A_792 {strides = array<i32>} : memref<32x384xf32, #tpu.memory_space<vmem>>, vector<1x16xf32>,
      %get3A_793 = arith.constant 320 : index
      %get3A_794 = tpu.vector_load %arg5[%get3A_793] {strides = array<i32>} : memref<384xf32, #tpu.memory_space<vmem>>, vector<16xf32>,
      %get3A_795 = vector.shape_cast %get3A_794 : vector<16xf32> to vector<16xf32>
      %get3A_796 = arith.index_cast %scan3A_534 : i32 to index
      %get3A_797 = arith.constant 320 : index
      %get3A_798 = tpu.vector_load %arg6[%get3A_796, %get3A_797] {strides = array<i32>} : memref<32x384xf32, #tpu.memory_space<vmem>>, vector<1x16xf32>,
      %get3A_799 = vector.shape_cast %get3A_798 : vector<1x16xf32> to vector<16xf32>
      %mul3A_800 = arith.mulf %get3A_795, %get3A_799 : vector<16xf32>
      %swap3A_801 = arith.index_cast %scan3A_534 : i32 to index
      %swap3A_802 = arith.constant 320 : index
      %swap3A_803 = tpu.vector_load %arg7[%swap3A_801, %swap3A_802] {strides = array<i32>} : memref<32x384xf32, #tpu.memory_space<vmem>>, vector<1x16xf32>,
      %swap3A_804 = vector.shape_cast %swap3A_803 : vector<1x16xf32> to vector<16xf32>
      %swap3A_805 = vector.shape_cast %mul3A_800 : vector<16xf32> to vector<1x16xf32>
      tpu.vector_store %arg7[%swap3A_801, %swap3A_802], %swap3A_805 {strides = array<i32>} : memref<32x384xf32, #tpu.memory_space<vmem>>, vector<1x16xf32>,
      %get3A_806 = arith.constant 336 : index
      %get3A_807 = tpu.vector_load %arg5[%get3A_806] {strides = array<i32>} : memref<384xf32, #tpu.memory_space<vmem>>, vector<16xf32>,
      %get3A_808 = vector.shape_cast %get3A_807 : vector<16xf32> to vector<16xf32>
      %get3A_809 = arith.index_cast %scan3A_534 : i32 to index
      %get3A_810 = arith.constant 336 : index
      %get3A_811 = tpu.vector_load %arg6[%get3A_809, %get3A_810] {strides = array<i32>} : memref<32x384xf32, #tpu.memory_space<vmem>>, vector<1x16xf32>,
      %get3A_812 = vector.shape_cast %get3A_811 : vector<1x16xf32> to vector<16xf32>
      %mul3A_813 = arith.mulf %get3A_808, %get3A_812 : vector<16xf32>
      %swap3A_814 = arith.index_cast %scan3A_534 : i32 to index
      %swap3A_815 = arith.constant 336 : index
      %swap3A_816 = tpu.vector_load %arg7[%swap3A_814, %swap3A_815] {strides = array<i32>} : memref<32x384xf32, #tpu.memory_space<vmem>>, vector<1x16xf32>,
      %swap3A_817 = vector.shape_cast %swap3A_816 : vector<1x16xf32> to vector<16xf32>
      %swap3A_818 = vector.shape_cast %mul3A_813 : vector<16xf32> to vector<1x16xf32>
      tpu.vector_store %arg7[%swap3A_814, %swap3A_815], %swap3A_818 {strides = array<i32>} : memref<32x384xf32, #tpu.memory_space<vmem>>, vector<1x16xf32>,
      %get3A_819 = arith.constant 352 : index
      %get3A_820 = tpu.vector_load %arg5[%get3A_819] {strides = array<i32>} : memref<384xf32, #tpu.memory_space<vmem>>, vector<16xf32>,
      %get3A_821 = vector.shape_cast %get3A_820 : vector<16xf32> to vector<16xf32>
      %get3A_822 = arith.index_cast %scan3A_534 : i32 to index
      %get3A_823 = arith.constant 352 : index
      %get3A_824 = tpu.vector_load %arg6[%get3A_822, %get3A_823] {strides = array<i32>} : memref<32x384xf32, #tpu.memory_space<vmem>>, vector<1x16xf32>,
      %get3A_825 = vector.shape_cast %get3A_824 : vector<1x16xf32> to vector<16xf32>
      %mul3A_826 = arith.mulf %get3A_821, %get3A_825 : vector<16xf32>
      %swap3A_827 = arith.index_cast %scan3A_534 : i32 to index
      %swap3A_828 = arith.constant 352 : index
      %swap3A_829 = tpu.vector_load %arg7[%swap3A_827, %swap3A_828] {strides = array<i32>} : memref<32x384xf32, #tpu.memory_space<vmem>>, vector<1x16xf32>,
      %swap3A_830 = vector.shape_cast %swap3A_829 : vector<1x16xf32> to vector<16xf32>
      %swap3A_831 = vector.shape_cast %mul3A_826 : vector<16xf32> to vector<1x16xf32>
      tpu.vector_store %arg7[%swap3A_827, %swap3A_828], %swap3A_831 {strides = array<i32>} : memref<32x384xf32, #tpu.memory_space<vmem>>, vector<1x16xf32>,
      %get3A_832 = arith.constant 368 : index
      %get3A_833 = tpu.vector_load %arg5[%get3A_832] {strides = array<i32>} : memref<384xf32, #tpu.memory_space<vmem>>, vector<16xf32>,
      %get3A_834 = vector.shape_cast %get3A_833 : vector<16xf32> to vector<16xf32>
      %get3A_835 = arith.index_cast %scan3A_534 : i32 to index
      %get3A_836 = arith.constant 368 : index
      %get3A_837 = tpu.vector_load %arg6[%get3A_835, %get3A_836] {strides = array<i32>} : memref<32x384xf32, #tpu.memory_space<vmem>>, vector<1x16xf32>,
      %get3A_838 = vector.shape_cast %get3A_837 : vector<1x16xf32> to vector<16xf32>
      %mul3A_839 = arith.mulf %get3A_834, %get3A_838 : vector<16xf32>
      %swap3A_840 = arith.index_cast %scan3A_534 : i32 to index
      %swap3A_841 = arith.constant 368 : index
      %swap3A_842 = tpu.vector_load %arg7[%swap3A_840, %swap3A_841] {strides = array<i32>} : memref<32x384xf32, #tpu.memory_space<vmem>>, vector<1x16xf32>,
      %swap3A_843 = vector.shape_cast %swap3A_842 : vector<1x16xf32> to vector<16xf32>
      %swap3A_844 = vector.shape_cast %mul3A_839 : vector<16xf32> to vector<1x16xf32>
      tpu.vector_store %arg7[%swap3A_840, %swap3A_841], %swap3A_844 {strides = array<i32>} : memref<32x384xf32, #tpu.memory_space<vmem>>, vector<1x16xf32>,
    }
    %scan3A_51 = arith.constant 16 : i32
    %mul3A_52 = arith.constant 32 : i32
    %mul3A_53 = arith.muli %add3A, %mul3A_52 : i32
    %dma_start3A_54 = arith.constant 0 : i32
    %dma_start3A_55 = arith.constant 0 : i32
    %dma_start3A_56 = arith.constant 0 : i32
    %dma_start3A_57 = tpu.memref_slice %arg7[%dma_start3A_55, %dma_start3A_56] : memref<32x384xf32, #tpu.memory_space<vmem>> -> memref<16x384xf32, #tpu.memory_space<vmem>>
    %dma_start3A_58 = arith.constant 0 : i32
    %dma_start3A_59 = tpu.memref_slice %arg4[%dma_start3A_54, %mul3A_53, %dma_start3A_58] : memref<8x1024x384xf32, #tpu.memory_space<hbm>> -> memref<1x16x384xf32, #tpu.memory_space<hbm>>
    %dma_start3A_60 = tpu.memref_squeeze %dma_start3A_59 : memref<1x16x384xf32, #tpu.memory_space<hbm>> -> memref<16x384xf32, #tpu.memory_space<hbm>>
    %dma_start3A_61 = arith.constant 0 : i32
    %dma_start3A_62 = tpu.memref_slice %arg4[%dma_start3A_54, %mul3A_53, %dma_start3A_61] : memref<8x1024x384xf32, #tpu.memory_space<hbm>> -> memref<1x16x384xf32, #tpu.memory_space<hbm>>
    %dma_start3A_63 = tpu.memref_squeeze %dma_start3A_62 : memref<1x16x384xf32, #tpu.memory_space<hbm>> -> memref<16x384xf32, #tpu.memory_space<hbm>>
    %dma_start3A_64 = arith.constant 0 : i32
    %dma_start3A_65 = arith.constant 0 : i32
    %dma_start3A_66 = tpu.memref_slice %arg7[%dma_start3A_64, %dma_start3A_65] : memref<32x384xf32, #tpu.memory_space<vmem>> -> memref<16x384xf32, #tpu.memory_space<vmem>>
    tpu.enqueue_dma source(%dma_start3A_66 : memref<16x384xf32, #tpu.memory_space<vmem>>) target(%dma_start3A_63 : memref<16x384xf32, #tpu.memory_space<hbm>>) target_semaphore(%arg10 : memref<!tpu.dma_semaphore, #tpu.memory_space<semaphore_mem>>)
    %mul3A_67 = arith.constant 32 : i32
    %mul3A_68 = arith.muli %add3A, %mul3A_67 : i32
    %dma_start3A_69 = arith.constant 1 : i32
    %dma_start3A_70 = arith.constant 0 : i32
    %dma_start3A_71 = arith.constant 0 : i32
    %dma_start3A_72 = tpu.memref_slice %arg7[%dma_start3A_70, %dma_start3A_71] : memref<32x384xf32, #tpu.memory_space<vmem>> -> memref<16x384xf32, #tpu.memory_space<vmem>>
    %dma_start3A_73 = arith.constant 0 : i32
    %dma_start3A_74 = tpu.memref_slice %arg4[%dma_start3A_69, %mul3A_68, %dma_start3A_73] : memref<8x1024x384xf32, #tpu.memory_space<hbm>> -> memref<1x16x384xf32, #tpu.memory_space<hbm>>
    %dma_start3A_75 = tpu.memref_squeeze %dma_start3A_74 : memref<1x16x384xf32, #tpu.memory_space<hbm>> -> memref<16x384xf32, #tpu.memory_space<hbm>>
    %dma_start3A_76 = arith.constant 0 : i32
    %dma_start3A_77 = tpu.memref_slice %arg4[%dma_start3A_69, %mul3A_68, %dma_start3A_76] : memref<8x1024x384xf32, #tpu.memory_space<hbm>> -> memref<1x16x384xf32, #tpu.memory_space<hbm>>
    %dma_start3A_78 = tpu.memref_squeeze %dma_start3A_77 : memref<1x16x384xf32, #tpu.memory_space<hbm>> -> memref<16x384xf32, #tpu.memory_space<hbm>>
    %dma_start3A_79 = arith.constant 0 : i32
    %dma_start3A_80 = arith.constant 0 : i32
    %dma_start3A_81 = tpu.memref_slice %arg7[%dma_start3A_79, %dma_start3A_80] : memref<32x384xf32, #tpu.memory_space<vmem>> -> memref<16x384xf32, #tpu.memory_space<vmem>>
    tpu.enqueue_dma source(%dma_start3A_81 : memref<16x384xf32, #tpu.memory_space<vmem>>) target(%dma_start3A_78 : memref<16x384xf32, #tpu.memory_space<hbm>>) target_semaphore(%arg10 : memref<!tpu.dma_semaphore, #tpu.memory_space<semaphore_mem>>)
    %mul3A_82 = arith.constant 32 : i32
    %mul3A_83 = arith.muli %add3A, %mul3A_82 : i32
    %dma_start3A_84 = arith.constant 2 : i32
    %dma_start3A_85 = arith.constant 0 : i32
    %dma_start3A_86 = arith.constant 0 : i32
    %dma_start3A_87 = tpu.memref_slice %arg7[%dma_start3A_85, %dma_start3A_86] : memref<32x384xf32, #tpu.memory_space<vmem>> -> memref<16x384xf32, #tpu.memory_space<vmem>>
    %dma_start3A_88 = arith.constant 0 : i32
    %dma_start3A_89 = tpu.memref_slice %arg4[%dma_start3A_84, %mul3A_83, %dma_start3A_88] : memref<8x1024x384xf32, #tpu.memory_space<hbm>> -> memref<1x16x384xf32, #tpu.memory_space<hbm>>
    %dma_start3A_90 = tpu.memref_squeeze %dma_start3A_89 : memref<1x16x384xf32, #tpu.memory_space<hbm>> -> memref<16x384xf32, #tpu.memory_space<hbm>>
    %dma_start3A_91 = arith.constant 0 : i32
    %dma_start3A_92 = tpu.memref_slice %arg4[%dma_start3A_84, %mul3A_83, %dma_start3A_91] : memref<8x1024x384xf32, #tpu.memory_space<hbm>> -> memref<1x16x384xf32, #tpu.memory_space<hbm>>
    %dma_start3A_93 = tpu.memref_squeeze %dma_start3A_92 : memref<1x16x384xf32, #tpu.memory_space<hbm>> -> memref<16x384xf32, #tpu.memory_space<hbm>>
    %dma_start3A_94 = arith.constant 0 : i32
    %dma_start3A_95 = arith.constant 0 : i32
    %dma_start3A_96 = tpu.memref_slice %arg7[%dma_start3A_94, %dma_start3A_95] : memref<32x384xf32, #tpu.memory_space<vmem>> -> memref<16x384xf32, #tpu.memory_space<vmem>>
    tpu.enqueue_dma source(%dma_start3A_96 : memref<16x384xf32, #tpu.memory_space<vmem>>) target(%dma_start3A_93 : memref<16x384xf32, #tpu.memory_space<hbm>>) target_semaphore(%arg10 : memref<!tpu.dma_semaphore, #tpu.memory_space<semaphore_mem>>)
    %mul3A_97 = arith.constant 32 : i32
    %mul3A_98 = arith.muli %add3A, %mul3A_97 : i32
    %dma_start3A_99 = arith.constant 3 : i32
    %dma_start3A_100 = arith.constant 0 : i32
    %dma_start3A_101 = arith.constant 0 : i32
    %dma_start3A_102 = tpu.memref_slice %arg7[%dma_start3A_100, %dma_start3A_101] : memref<32x384xf32, #tpu.memory_space<vmem>> -> memref<16x384xf32, #tpu.memory_space<vmem>>
    %dma_start3A_103 = arith.constant 0 : i32
    %dma_start3A_104 = tpu.memref_slice %arg4[%dma_start3A_99, %mul3A_98, %dma_start3A_103] : memref<8x1024x384xf32, #tpu.memory_space<hbm>> -> memref<1x16x384xf32, #tpu.memory_space<hbm>>
    %dma_start3A_105 = tpu.memref_squeeze %dma_start3A_104 : memref<1x16x384xf32, #tpu.memory_space<hbm>> -> memref<16x384xf32, #tpu.memory_space<hbm>>
    %dma_start3A_106 = arith.constant 0 : i32
    %dma_start3A_107 = tpu.memref_slice %arg4[%dma_start3A_99, %mul3A_98, %dma_start3A_106] : memref<8x1024x384xf32, #tpu.memory_space<hbm>> -> memref<1x16x384xf32, #tpu.memory_space<hbm>>
    %dma_start3A_108 = tpu.memref_squeeze %dma_start3A_107 : memref<1x16x384xf32, #tpu.memory_space<hbm>> -> memref<16x384xf32, #tpu.memory_space<hbm>>
    %dma_start3A_109 = arith.constant 0 : i32
    %dma_start3A_110 = arith.constant 0 : i32
    %dma_start3A_111 = tpu.memref_slice %arg7[%dma_start3A_109, %dma_start3A_110] : memref<32x384xf32, #tpu.memory_space<vmem>> -> memref<16x384xf32, #tpu.memory_space<vmem>>
    tpu.enqueue_dma source(%dma_start3A_111 : memref<16x384xf32, #tpu.memory_space<vmem>>) target(%dma_start3A_108 : memref<16x384xf32, #tpu.memory_space<hbm>>) target_semaphore(%arg10 : memref<!tpu.dma_semaphore, #tpu.memory_space<semaphore_mem>>)
    %mul3A_112 = arith.constant 32 : i32
    %mul3A_113 = arith.muli %add3A, %mul3A_112 : i32
    %dma_start3A_114 = arith.constant 4 : i32
    %dma_start3A_115 = arith.constant 0 : i32
    %dma_start3A_116 = arith.constant 0 : i32
    %dma_start3A_117 = tpu.memref_slice %arg7[%dma_start3A_115, %dma_start3A_116] : memref<32x384xf32, #tpu.memory_space<vmem>> -> memref<16x384xf32, #tpu.memory_space<vmem>>
    %dma_start3A_118 = arith.constant 0 : i32
    %dma_start3A_119 = tpu.memref_slice %arg4[%dma_start3A_114, %mul3A_113, %dma_start3A_118] : memref<8x1024x384xf32, #tpu.memory_space<hbm>> -> memref<1x16x384xf32, #tpu.memory_space<hbm>>
    %dma_start3A_120 = tpu.memref_squeeze %dma_start3A_119 : memref<1x16x384xf32, #tpu.memory_space<hbm>> -> memref<16x384xf32, #tpu.memory_space<hbm>>
    %dma_start3A_121 = arith.constant 0 : i32
    %dma_start3A_122 = tpu.memref_slice %arg4[%dma_start3A_114, %mul3A_113, %dma_start3A_121] : memref<8x1024x384xf32, #tpu.memory_space<hbm>> -> memref<1x16x384xf32, #tpu.memory_space<hbm>>
    %dma_start3A_123 = tpu.memref_squeeze %dma_start3A_122 : memref<1x16x384xf32, #tpu.memory_space<hbm>> -> memref<16x384xf32, #tpu.memory_space<hbm>>
    %dma_start3A_124 = arith.constant 0 : i32
    %dma_start3A_125 = arith.constant 0 : i32
    %dma_start3A_126 = tpu.memref_slice %arg7[%dma_start3A_124, %dma_start3A_125] : memref<32x384xf32, #tpu.memory_space<vmem>> -> memref<16x384xf32, #tpu.memory_space<vmem>>
    tpu.enqueue_dma source(%dma_start3A_126 : memref<16x384xf32, #tpu.memory_space<vmem>>) target(%dma_start3A_123 : memref<16x384xf32, #tpu.memory_space<hbm>>) target_semaphore(%arg10 : memref<!tpu.dma_semaphore, #tpu.memory_space<semaphore_mem>>)
    %mul3A_127 = arith.constant 32 : i32
    %mul3A_128 = arith.muli %add3A, %mul3A_127 : i32
    %dma_start3A_129 = arith.constant 5 : i32
    %dma_start3A_130 = arith.constant 0 : i32
    %dma_start3A_131 = arith.constant 0 : i32
    %dma_start3A_132 = tpu.memref_slice %arg7[%dma_start3A_130, %dma_start3A_131] : memref<32x384xf32, #tpu.memory_space<vmem>> -> memref<16x384xf32, #tpu.memory_space<vmem>>
    %dma_start3A_133 = arith.constant 0 : i32
    %dma_start3A_134 = tpu.memref_slice %arg4[%dma_start3A_129, %mul3A_128, %dma_start3A_133] : memref<8x1024x384xf32, #tpu.memory_space<hbm>> -> memref<1x16x384xf32, #tpu.memory_space<hbm>>
    %dma_start3A_135 = tpu.memref_squeeze %dma_start3A_134 : memref<1x16x384xf32, #tpu.memory_space<hbm>> -> memref<16x384xf32, #tpu.memory_space<hbm>>
    %dma_start3A_136 = arith.constant 0 : i32
    %dma_start3A_137 = tpu.memref_slice %arg4[%dma_start3A_129, %mul3A_128, %dma_start3A_136] : memref<8x1024x384xf32, #tpu.memory_space<hbm>> -> memref<1x16x384xf32, #tpu.memory_space<hbm>>
    %dma_start3A_138 = tpu.memref_squeeze %dma_start3A_137 : memref<1x16x384xf32, #tpu.memory_space<hbm>> -> memref<16x384xf32, #tpu.memory_space<hbm>>
    %dma_start3A_139 = arith.constant 0 : i32
    %dma_start3A_140 = arith.constant 0 : i32
    %dma_start3A_141 = tpu.memref_slice %arg7[%dma_start3A_139, %dma_start3A_140] : memref<32x384xf32, #tpu.memory_space<vmem>> -> memref<16x384xf32, #tpu.memory_space<vmem>>
    tpu.enqueue_dma source(%dma_start3A_141 : memref<16x384xf32, #tpu.memory_space<vmem>>) target(%dma_start3A_138 : memref<16x384xf32, #tpu.memory_space<hbm>>) target_semaphore(%arg10 : memref<!tpu.dma_semaphore, #tpu.memory_space<semaphore_mem>>)
    %mul3A_142 = arith.constant 32 : i32
    %mul3A_143 = arith.muli %add3A, %mul3A_142 : i32
    %dma_start3A_144 = arith.constant 6 : i32
    %dma_start3A_145 = arith.constant 0 : i32
    %dma_start3A_146 = arith.constant 0 : i32
    %dma_start3A_147 = tpu.memref_slice %arg7[%dma_start3A_145, %dma_start3A_146] : memref<32x384xf32, #tpu.memory_space<vmem>> -> memref<16x384xf32, #tpu.memory_space<vmem>>
    %dma_start3A_148 = arith.constant 0 : i32
    %dma_start3A_149 = tpu.memref_slice %arg4[%dma_start3A_144, %mul3A_143, %dma_start3A_148] : memref<8x1024x384xf32, #tpu.memory_space<hbm>> -> memref<1x16x384xf32, #tpu.memory_space<hbm>>
    %dma_start3A_150 = tpu.memref_squeeze %dma_start3A_149 : memref<1x16x384xf32, #tpu.memory_space<hbm>> -> memref<16x384xf32, #tpu.memory_space<hbm>>
    %dma_start3A_151 = arith.constant 0 : i32
    %dma_start3A_152 = tpu.memref_slice %arg4[%dma_start3A_144, %mul3A_143, %dma_start3A_151] : memref<8x1024x384xf32, #tpu.memory_space<hbm>> -> memref<1x16x384xf32, #tpu.memory_space<hbm>>
    %dma_start3A_153 = tpu.memref_squeeze %dma_start3A_152 : memref<1x16x384xf32, #tpu.memory_space<hbm>> -> memref<16x384xf32, #tpu.memory_space<hbm>>
    %dma_start3A_154 = arith.constant 0 : i32
    %dma_start3A_155 = arith.constant 0 : i32
    %dma_start3A_156 = tpu.memref_slice %arg7[%dma_start3A_154, %dma_start3A_155] : memref<32x384xf32, #tpu.memory_space<vmem>> -> memref<16x384xf32, #tpu.memory_space<vmem>>
    tpu.enqueue_dma source(%dma_start3A_156 : memref<16x384xf32, #tpu.memory_space<vmem>>) target(%dma_start3A_153 : memref<16x384xf32, #tpu.memory_space<hbm>>) target_semaphore(%arg10 : memref<!tpu.dma_semaphore, #tpu.memory_space<semaphore_mem>>)
    %mul3A_157 = arith.constant 32 : i32
    %mul3A_158 = arith.muli %add3A, %mul3A_157 : i32
    %dma_start3A_159 = arith.constant 7 : i32
    %dma_start3A_160 = arith.constant 0 : i32
    %dma_start3A_161 = arith.constant 0 : i32
    %dma_start3A_162 = tpu.memref_slice %arg7[%dma_start3A_160, %dma_start3A_161] : memref<32x384xf32, #tpu.memory_space<vmem>> -> memref<16x384xf32, #tpu.memory_space<vmem>>
    %dma_start3A_163 = arith.constant 0 : i32
    %dma_start3A_164 = tpu.memref_slice %arg4[%dma_start3A_159, %mul3A_158, %dma_start3A_163] : memref<8x1024x384xf32, #tpu.memory_space<hbm>> -> memref<1x16x384xf32, #tpu.memory_space<hbm>>
    %dma_start3A_165 = tpu.memref_squeeze %dma_start3A_164 : memref<1x16x384xf32, #tpu.memory_space<hbm>> -> memref<16x384xf32, #tpu.memory_space<hbm>>
    %dma_start3A_166 = arith.constant 0 : i32
    %dma_start3A_167 = tpu.memref_slice %arg4[%dma_start3A_159, %mul3A_158, %dma_start3A_166] : memref<8x1024x384xf32, #tpu.memory_space<hbm>> -> memref<1x16x384xf32, #tpu.memory_space<hbm>>
    %dma_start3A_168 = tpu.memref_squeeze %dma_start3A_167 : memref<1x16x384xf32, #tpu.memory_space<hbm>> -> memref<16x384xf32, #tpu.memory_space<hbm>>
    %dma_start3A_169 = arith.constant 0 : i32
    %dma_start3A_170 = arith.constant 0 : i32
    %dma_start3A_171 = tpu.memref_slice %arg7[%dma_start3A_169, %dma_start3A_170] : memref<32x384xf32, #tpu.memory_space<vmem>> -> memref<16x384xf32, #tpu.memory_space<vmem>>
    tpu.enqueue_dma source(%dma_start3A_171 : memref<16x384xf32, #tpu.memory_space<vmem>>) target(%dma_start3A_168 : memref<16x384xf32, #tpu.memory_space<hbm>>) target_semaphore(%arg10 : memref<!tpu.dma_semaphore, #tpu.memory_space<semaphore_mem>>)
    %dma_wait3A_172 = arith.constant 16 : i32
    %dma_wait3A_173 = arith.constant 0 : i32
    %dma_wait3A_174 = tpu.memref_slice %arg6[%dma_wait3A_172, %dma_wait3A_173] : memref<32x384xf32, #tpu.memory_space<vmem>> -> memref<16x384xf32, #tpu.memory_space<vmem>>
    %dma_wait3A_175 = arith.constant 16 : i32
    %dma_wait3A_176 = arith.constant 0 : i32
    %dma_wait3A_177 = tpu.memref_slice %arg3[%dma_wait3A_175, %dma_wait3A_176] : memref<512x384xf32, #tpu.memory_space<hbm>> -> memref<16x384xf32, #tpu.memory_space<hbm>>
    %dma_wait3A_178 = arith.constant 16 : i32
    %dma_wait3A_179 = arith.constant 0 : i32
    %dma_wait3A_180 = tpu.memref_slice %arg6[%dma_wait3A_178, %dma_wait3A_179] : memref<32x384xf32, #tpu.memory_space<vmem>> -> memref<16x384xf32, #tpu.memory_space<vmem>>
    %dma_wait3A_181 = arith.constant 16 : i32
    %dma_wait3A_182 = arith.constant 0 : i32
    %dma_wait3A_183 = tpu.memref_slice %arg3[%dma_wait3A_181, %dma_wait3A_182] : memref<512x384xf32, #tpu.memory_space<hbm>> -> memref<16x384xf32, #tpu.memory_space<hbm>>
    tpu.wait_dma2 semaphore(%arg9 : memref<!tpu.dma_semaphore, #tpu.memory_space<semaphore_mem>>) src(%dma_wait3A_183 : memref<16x384xf32, #tpu.memory_space<hbm>>) dst(%dma_wait3A_180 : memref<16x384xf32, #tpu.memory_space<vmem>>)
    %scan3A_184 = arith.constant 0 : i32
    %scan3A_185 = arith.constant 16 : i32
    %scan3A_186 = arith.constant 16 : i32
    %scan3A_187 = arith.addi %scan3A_185, %scan3A_186 : i32
    %scan3A_188 = arith.constant 1 : i32
    scf.for %scan3A_534 = %scan3A_185 to %scan3A_187 step %scan3A_188  : i32 {
      %get3A = arith.constant 0 : index
      %get3A_535 = tpu.vector_load %arg5[%get3A] {strides = array<i32>} : memref<384xf32, #tpu.memory_space<vmem>>, vector<16xf32>,
      %get3A_536 = vector.shape_cast %get3A_535 : vector<16xf32> to vector<16xf32>
      %get3A_537 = arith.index_cast %scan3A_534 : i32 to index
      %get3A_538 = arith.constant 0 : index
      %get3A_539 = tpu.vector_load %arg6[%get3A_537, %get3A_538] {strides = array<i32>} : memref<32x384xf32, #tpu.memory_space<vmem>>, vector<1x16xf32>,
      %get3A_540 = vector.shape_cast %get3A_539 : vector<1x16xf32> to vector<16xf32>
      %mul3A_541 = arith.mulf %get3A_536, %get3A_540 : vector<16xf32>
      %swap3A = arith.index_cast %scan3A_534 : i32 to index
      %swap3A_542 = arith.constant 0 : index
      %swap3A_543 = tpu.vector_load %arg7[%swap3A, %swap3A_542] {strides = array<i32>} : memref<32x384xf32, #tpu.memory_space<vmem>>, vector<1x16xf32>,
      %swap3A_544 = vector.shape_cast %swap3A_543 : vector<1x16xf32> to vector<16xf32>
      %swap3A_545 = vector.shape_cast %mul3A_541 : vector<16xf32> to vector<1x16xf32>
      tpu.vector_store %arg7[%swap3A, %swap3A_542], %swap3A_545 {strides = array<i32>} : memref<32x384xf32, #tpu.memory_space<vmem>>, vector<1x16xf32>,
      %get3A_546 = arith.constant 16 : index
      %get3A_547 = tpu.vector_load %arg5[%get3A_546] {strides = array<i32>} : memref<384xf32, #tpu.memory_space<vmem>>, vector<16xf32>,
      %get3A_548 = vector.shape_cast %get3A_547 : vector<16xf32> to vector<16xf32>
      %get3A_549 = arith.index_cast %scan3A_534 : i32 to index
      %get3A_550 = arith.constant 16 : index
      %get3A_551 = tpu.vector_load %arg6[%get3A_549, %get3A_550] {strides = array<i32>} : memref<32x384xf32, #tpu.memory_space<vmem>>, vector<1x16xf32>,
      %get3A_552 = vector.shape_cast %get3A_551 : vector<1x16xf32> to vector<16xf32>
      %mul3A_553 = arith.mulf %get3A_548, %get3A_552 : vector<16xf32>
      %swap3A_554 = arith.index_cast %scan3A_534 : i32 to index
      %swap3A_555 = arith.constant 16 : index
      %swap3A_556 = tpu.vector_load %arg7[%swap3A_554, %swap3A_555] {strides = array<i32>} : memref<32x384xf32, #tpu.memory_space<vmem>>, vector<1x16xf32>,
      %swap3A_557 = vector.shape_cast %swap3A_556 : vector<1x16xf32> to vector<16xf32>
      %swap3A_558 = vector.shape_cast %mul3A_553 : vector<16xf32> to vector<1x16xf32>
      tpu.vector_store %arg7[%swap3A_554, %swap3A_555], %swap3A_558 {strides = array<i32>} : memref<32x384xf32, #tpu.memory_space<vmem>>, vector<1x16xf32>,
      %get3A_559 = arith.constant 32 : index
      %get3A_560 = tpu.vector_load %arg5[%get3A_559] {strides = array<i32>} : memref<384xf32, #tpu.memory_space<vmem>>, vector<16xf32>,
      %get3A_561 = vector.shape_cast %get3A_560 : vector<16xf32> to vector<16xf32>
      %get3A_562 = arith.index_cast %scan3A_534 : i32 to index
      %get3A_563 = arith.constant 32 : index
      %get3A_564 = tpu.vector_load %arg6[%get3A_562, %get3A_563] {strides = array<i32>} : memref<32x384xf32, #tpu.memory_space<vmem>>, vector<1x16xf32>,
      %get3A_565 = vector.shape_cast %get3A_564 : vector<1x16xf32> to vector<16xf32>
      %mul3A_566 = arith.mulf %get3A_561, %get3A_565 : vector<16xf32>
      %swap3A_567 = arith.index_cast %scan3A_534 : i32 to index
      %swap3A_568 = arith.constant 32 : index
      %swap3A_569 = tpu.vector_load %arg7[%swap3A_567, %swap3A_568] {strides = array<i32>} : memref<32x384xf32, #tpu.memory_space<vmem>>, vector<1x16xf32>,
      %swap3A_570 = vector.shape_cast %swap3A_569 : vector<1x16xf32> to vector<16xf32>
      %swap3A_571 = vector.shape_cast %mul3A_566 : vector<16xf32> to vector<1x16xf32>
      tpu.vector_store %arg7[%swap3A_567, %swap3A_568], %swap3A_571 {strides = array<i32>} : memref<32x384xf32, #tpu.memory_space<vmem>>, vector<1x16xf32>,
      %get3A_572 = arith.constant 48 : index
      %get3A_573 = tpu.vector_load %arg5[%get3A_572] {strides = array<i32>} : memref<384xf32, #tpu.memory_space<vmem>>, vector<16xf32>,
      %get3A_574 = vector.shape_cast %get3A_573 : vector<16xf32> to vector<16xf32>
      %get3A_575 = arith.index_cast %scan3A_534 : i32 to index
      %get3A_576 = arith.constant 48 : index
      %get3A_577 = tpu.vector_load %arg6[%get3A_575, %get3A_576] {strides = array<i32>} : memref<32x384xf32, #tpu.memory_space<vmem>>, vector<1x16xf32>,
      %get3A_578 = vector.shape_cast %get3A_577 : vector<1x16xf32> to vector<16xf32>
      %mul3A_579 = arith.mulf %get3A_574, %get3A_578 : vector<16xf32>
      %swap3A_580 = arith.index_cast %scan3A_534 : i32 to index
      %swap3A_581 = arith.constant 48 : index
      %swap3A_582 = tpu.vector_load %arg7[%swap3A_580, %swap3A_581] {strides = array<i32>} : memref<32x384xf32, #tpu.memory_space<vmem>>, vector<1x16xf32>,
      %swap3A_583 = vector.shape_cast %swap3A_582 : vector<1x16xf32> to vector<16xf32>
      %swap3A_584 = vector.shape_cast %mul3A_579 : vector<16xf32> to vector<1x16xf32>
      tpu.vector_store %arg7[%swap3A_580, %swap3A_581], %swap3A_584 {strides = array<i32>} : memref<32x384xf32, #tpu.memory_space<vmem>>, vector<1x16xf32>,
      %get3A_585 = arith.constant 64 : index
      %get3A_586 = tpu.vector_load %arg5[%get3A_585] {strides = array<i32>} : memref<384xf32, #tpu.memory_space<vmem>>, vector<16xf32>,
      %get3A_587 = vector.shape_cast %get3A_586 : vector<16xf32> to vector<16xf32>
      %get3A_588 = arith.index_cast %scan3A_534 : i32 to index
      %get3A_589 = arith.constant 64 : index
      %get3A_590 = tpu.vector_load %arg6[%get3A_588, %get3A_589] {strides = array<i32>} : memref<32x384xf32, #tpu.memory_space<vmem>>, vector<1x16xf32>,
      %get3A_591 = vector.shape_cast %get3A_590 : vector<1x16xf32> to vector<16xf32>
      %mul3A_592 = arith.mulf %get3A_587, %get3A_591 : vector<16xf32>
      %swap3A_593 = arith.index_cast %scan3A_534 : i32 to index
      %swap3A_594 = arith.constant 64 : index
      %swap3A_595 = tpu.vector_load %arg7[%swap3A_593, %swap3A_594] {strides = array<i32>} : memref<32x384xf32, #tpu.memory_space<vmem>>, vector<1x16xf32>,
      %swap3A_596 = vector.shape_cast %swap3A_595 : vector<1x16xf32> to vector<16xf32>
      %swap3A_597 = vector.shape_cast %mul3A_592 : vector<16xf32> to vector<1x16xf32>
      tpu.vector_store %arg7[%swap3A_593, %swap3A_594], %swap3A_597 {strides = array<i32>} : memref<32x384xf32, #tpu.memory_space<vmem>>, vector<1x16xf32>,
      %get3A_598 = arith.constant 80 : index
      %get3A_599 = tpu.vector_load %arg5[%get3A_598] {strides = array<i32>} : memref<384xf32, #tpu.memory_space<vmem>>, vector<16xf32>,
      %get3A_600 = vector.shape_cast %get3A_599 : vector<16xf32> to vector<16xf32>
      %get3A_601 = arith.index_cast %scan3A_534 : i32 to index
      %get3A_602 = arith.constant 80 : index
      %get3A_603 = tpu.vector_load %arg6[%get3A_601, %get3A_602] {strides = array<i32>} : memref<32x384xf32, #tpu.memory_space<vmem>>, vector<1x16xf32>,
      %get3A_604 = vector.shape_cast %get3A_603 : vector<1x16xf32> to vector<16xf32>
      %mul3A_605 = arith.mulf %get3A_600, %get3A_604 : vector<16xf32>
      %swap3A_606 = arith.index_cast %scan3A_534 : i32 to index
      %swap3A_607 = arith.constant 80 : index
      %swap3A_608 = tpu.vector_load %arg7[%swap3A_606, %swap3A_607] {strides = array<i32>} : memref<32x384xf32, #tpu.memory_space<vmem>>, vector<1x16xf32>,
      %swap3A_609 = vector.shape_cast %swap3A_608 : vector<1x16xf32> to vector<16xf32>
      %swap3A_610 = vector.shape_cast %mul3A_605 : vector<16xf32> to vector<1x16xf32>
      tpu.vector_store %arg7[%swap3A_606, %swap3A_607], %swap3A_610 {strides = array<i32>} : memref<32x384xf32, #tpu.memory_space<vmem>>, vector<1x16xf32>,
      %get3A_611 = arith.constant 96 : index
      %get3A_612 = tpu.vector_load %arg5[%get3A_611] {strides = array<i32>} : memref<384xf32, #tpu.memory_space<vmem>>, vector<16xf32>,
      %get3A_613 = vector.shape_cast %get3A_612 : vector<16xf32> to vector<16xf32>
      %get3A_614 = arith.index_cast %scan3A_534 : i32 to index
      %get3A_615 = arith.constant 96 : index
      %get3A_616 = tpu.vector_load %arg6[%get3A_614, %get3A_615] {strides = array<i32>} : memref<32x384xf32, #tpu.memory_space<vmem>>, vector<1x16xf32>,
      %get3A_617 = vector.shape_cast %get3A_616 : vector<1x16xf32> to vector<16xf32>
      %mul3A_618 = arith.mulf %get3A_613, %get3A_617 : vector<16xf32>
      %swap3A_619 = arith.index_cast %scan3A_534 : i32 to index
      %swap3A_620 = arith.constant 96 : index
      %swap3A_621 = tpu.vector_load %arg7[%swap3A_619, %swap3A_620] {strides = array<i32>} : memref<32x384xf32, #tpu.memory_space<vmem>>, vector<1x16xf32>,
      %swap3A_622 = vector.shape_cast %swap3A_621 : vector<1x16xf32> to vector<16xf32>
      %swap3A_623 = vector.shape_cast %mul3A_618 : vector<16xf32> to vector<1x16xf32>
      tpu.vector_store %arg7[%swap3A_619, %swap3A_620], %swap3A_623 {strides = array<i32>} : memref<32x384xf32, #tpu.memory_space<vmem>>, vector<1x16xf32>,
      %get3A_624 = arith.constant 112 : index
      %get3A_625 = tpu.vector_load %arg5[%get3A_624] {strides = array<i32>} : memref<384xf32, #tpu.memory_space<vmem>>, vector<16xf32>,
      %get3A_626 = vector.shape_cast %get3A_625 : vector<16xf32> to vector<16xf32>
      %get3A_627 = arith.index_cast %scan3A_534 : i32 to index
      %get3A_628 = arith.constant 112 : index
      %get3A_629 = tpu.vector_load %arg6[%get3A_627, %get3A_628] {strides = array<i32>} : memref<32x384xf32, #tpu.memory_space<vmem>>, vector<1x16xf32>,
      %get3A_630 = vector.shape_cast %get3A_629 : vector<1x16xf32> to vector<16xf32>
      %mul3A_631 = arith.mulf %get3A_626, %get3A_630 : vector<16xf32>
      %swap3A_632 = arith.index_cast %scan3A_534 : i32 to index
      %swap3A_633 = arith.constant 112 : index
      %swap3A_634 = tpu.vector_load %arg7[%swap3A_632, %swap3A_633] {strides = array<i32>} : memref<32x384xf32, #tpu.memory_space<vmem>>, vector<1x16xf32>,
      %swap3A_635 = vector.shape_cast %swap3A_634 : vector<1x16xf32> to vector<16xf32>
      %swap3A_636 = vector.shape_cast %mul3A_631 : vector<16xf32> to vector<1x16xf32>
      tpu.vector_store %arg7[%swap3A_632, %swap3A_633], %swap3A_636 {strides = array<i32>} : memref<32x384xf32, #tpu.memory_space<vmem>>, vector<1x16xf32>,
      %get3A_637 = arith.constant 128 : index
      %get3A_638 = tpu.vector_load %arg5[%get3A_637] {strides = array<i32>} : memref<384xf32, #tpu.memory_space<vmem>>, vector<16xf32>,
      %get3A_639 = vector.shape_cast %get3A_638 : vector<16xf32> to vector<16xf32>
      %get3A_640 = arith.index_cast %scan3A_534 : i32 to index
      %get3A_641 = arith.constant 128 : index
      %get3A_642 = tpu.vector_load %arg6[%get3A_640, %get3A_641] {strides = array<i32>} : memref<32x384xf32, #tpu.memory_space<vmem>>, vector<1x16xf32>,
      %get3A_643 = vector.shape_cast %get3A_642 : vector<1x16xf32> to vector<16xf32>
      %mul3A_644 = arith.mulf %get3A_639, %get3A_643 : vector<16xf32>
      %swap3A_645 = arith.index_cast %scan3A_534 : i32 to index
      %swap3A_646 = arith.constant 128 : index
      %swap3A_647 = tpu.vector_load %arg7[%swap3A_645, %swap3A_646] {strides = array<i32>} : memref<32x384xf32, #tpu.memory_space<vmem>>, vector<1x16xf32>,
      %swap3A_648 = vector.shape_cast %swap3A_647 : vector<1x16xf32> to vector<16xf32>
      %swap3A_649 = vector.shape_cast %mul3A_644 : vector<16xf32> to vector<1x16xf32>
      tpu.vector_store %arg7[%swap3A_645, %swap3A_646], %swap3A_649 {strides = array<i32>} : memref<32x384xf32, #tpu.memory_space<vmem>>, vector<1x16xf32>,
      %get3A_650 = arith.constant 144 : index
      %get3A_651 = tpu.vector_load %arg5[%get3A_650] {strides = array<i32>} : memref<384xf32, #tpu.memory_space<vmem>>, vector<16xf32>,
      %get3A_652 = vector.shape_cast %get3A_651 : vector<16xf32> to vector<16xf32>
      %get3A_653 = arith.index_cast %scan3A_534 : i32 to index
      %get3A_654 = arith.constant 144 : index
      %get3A_655 = tpu.vector_load %arg6[%get3A_653, %get3A_654] {strides = array<i32>} : memref<32x384xf32, #tpu.memory_space<vmem>>, vector<1x16xf32>,
      %get3A_656 = vector.shape_cast %get3A_655 : vector<1x16xf32> to vector<16xf32>
      %mul3A_657 = arith.mulf %get3A_652, %get3A_656 : vector<16xf32>
      %swap3A_658 = arith.index_cast %scan3A_534 : i32 to index
      %swap3A_659 = arith.constant 144 : index
      %swap3A_660 = tpu.vector_load %arg7[%swap3A_658, %swap3A_659] {strides = array<i32>} : memref<32x384xf32, #tpu.memory_space<vmem>>, vector<1x16xf32>,
      %swap3A_661 = vector.shape_cast %swap3A_660 : vector<1x16xf32> to vector<16xf32>
      %swap3A_662 = vector.shape_cast %mul3A_657 : vector<16xf32> to vector<1x16xf32>
      tpu.vector_store %arg7[%swap3A_658, %swap3A_659], %swap3A_662 {strides = array<i32>} : memref<32x384xf32, #tpu.memory_space<vmem>>, vector<1x16xf32>,
      %get3A_663 = arith.constant 160 : index
      %get3A_664 = tpu.vector_load %arg5[%get3A_663] {strides = array<i32>} : memref<384xf32, #tpu.memory_space<vmem>>, vector<16xf32>,
      %get3A_665 = vector.shape_cast %get3A_664 : vector<16xf32> to vector<16xf32>
      %get3A_666 = arith.index_cast %scan3A_534 : i32 to index
      %get3A_667 = arith.constant 160 : index
      %get3A_668 = tpu.vector_load %arg6[%get3A_666, %get3A_667] {strides = array<i32>} : memref<32x384xf32, #tpu.memory_space<vmem>>, vector<1x16xf32>,
      %get3A_669 = vector.shape_cast %get3A_668 : vector<1x16xf32> to vector<16xf32>
      %mul3A_670 = arith.mulf %get3A_665, %get3A_669 : vector<16xf32>
      %swap3A_671 = arith.index_cast %scan3A_534 : i32 to index
      %swap3A_672 = arith.constant 160 : index
      %swap3A_673 = tpu.vector_load %arg7[%swap3A_671, %swap3A_672] {strides = array<i32>} : memref<32x384xf32, #tpu.memory_space<vmem>>, vector<1x16xf32>,
      %swap3A_674 = vector.shape_cast %swap3A_673 : vector<1x16xf32> to vector<16xf32>
      %swap3A_675 = vector.shape_cast %mul3A_670 : vector<16xf32> to vector<1x16xf32>
      tpu.vector_store %arg7[%swap3A_671, %swap3A_672], %swap3A_675 {strides = array<i32>} : memref<32x384xf32, #tpu.memory_space<vmem>>, vector<1x16xf32>,
      %get3A_676 = arith.constant 176 : index
      %get3A_677 = tpu.vector_load %arg5[%get3A_676] {strides = array<i32>} : memref<384xf32, #tpu.memory_space<vmem>>, vector<16xf32>,
      %get3A_678 = vector.shape_cast %get3A_677 : vector<16xf32> to vector<16xf32>
      %get3A_679 = arith.index_cast %scan3A_534 : i32 to index
      %get3A_680 = arith.constant 176 : index
      %get3A_681 = tpu.vector_load %arg6[%get3A_679, %get3A_680] {strides = array<i32>} : memref<32x384xf32, #tpu.memory_space<vmem>>, vector<1x16xf32>,
      %get3A_682 = vector.shape_cast %get3A_681 : vector<1x16xf32> to vector<16xf32>
      %mul3A_683 = arith.mulf %get3A_678, %get3A_682 : vector<16xf32>
      %swap3A_684 = arith.index_cast %scan3A_534 : i32 to index
      %swap3A_685 = arith.constant 176 : index
      %swap3A_686 = tpu.vector_load %arg7[%swap3A_684, %swap3A_685] {strides = array<i32>} : memref<32x384xf32, #tpu.memory_space<vmem>>, vector<1x16xf32>,
      %swap3A_687 = vector.shape_cast %swap3A_686 : vector<1x16xf32> to vector<16xf32>
      %swap3A_688 = vector.shape_cast %mul3A_683 : vector<16xf32> to vector<1x16xf32>
      tpu.vector_store %arg7[%swap3A_684, %swap3A_685], %swap3A_688 {strides = array<i32>} : memref<32x384xf32, #tpu.memory_space<vmem>>, vector<1x16xf32>,
      %get3A_689 = arith.constant 192 : index
      %get3A_690 = tpu.vector_load %arg5[%get3A_689] {strides = array<i32>} : memref<384xf32, #tpu.memory_space<vmem>>, vector<16xf32>,
      %get3A_691 = vector.shape_cast %get3A_690 : vector<16xf32> to vector<16xf32>
      %get3A_692 = arith.index_cast %scan3A_534 : i32 to index
      %get3A_693 = arith.constant 192 : index
      %get3A_694 = tpu.vector_load %arg6[%get3A_692, %get3A_693] {strides = array<i32>} : memref<32x384xf32, #tpu.memory_space<vmem>>, vector<1x16xf32>,
      %get3A_695 = vector.shape_cast %get3A_694 : vector<1x16xf32> to vector<16xf32>
      %mul3A_696 = arith.mulf %get3A_691, %get3A_695 : vector<16xf32>
      %swap3A_697 = arith.index_cast %scan3A_534 : i32 to index
      %swap3A_698 = arith.constant 192 : index
      %swap3A_699 = tpu.vector_load %arg7[%swap3A_697, %swap3A_698] {strides = array<i32>} : memref<32x384xf32, #tpu.memory_space<vmem>>, vector<1x16xf32>,
      %swap3A_700 = vector.shape_cast %swap3A_699 : vector<1x16xf32> to vector<16xf32>
      %swap3A_701 = vector.shape_cast %mul3A_696 : vector<16xf32> to vector<1x16xf32>
      tpu.vector_store %arg7[%swap3A_697, %swap3A_698], %swap3A_701 {strides = array<i32>} : memref<32x384xf32, #tpu.memory_space<vmem>>, vector<1x16xf32>,
      %get3A_702 = arith.constant 208 : index
      %get3A_703 = tpu.vector_load %arg5[%get3A_702] {strides = array<i32>} : memref<384xf32, #tpu.memory_space<vmem>>, vector<16xf32>,
      %get3A_704 = vector.shape_cast %get3A_703 : vector<16xf32> to vector<16xf32>
      %get3A_705 = arith.index_cast %scan3A_534 : i32 to index
      %get3A_706 = arith.constant 208 : index
      %get3A_707 = tpu.vector_load %arg6[%get3A_705, %get3A_706] {strides = array<i32>} : memref<32x384xf32, #tpu.memory_space<vmem>>, vector<1x16xf32>,
      %get3A_708 = vector.shape_cast %get3A_707 : vector<1x16xf32> to vector<16xf32>
      %mul3A_709 = arith.mulf %get3A_704, %get3A_708 : vector<16xf32>
      %swap3A_710 = arith.index_cast %scan3A_534 : i32 to index
      %swap3A_711 = arith.constant 208 : index
      %swap3A_712 = tpu.vector_load %arg7[%swap3A_710, %swap3A_711] {strides = array<i32>} : memref<32x384xf32, #tpu.memory_space<vmem>>, vector<1x16xf32>,
      %swap3A_713 = vector.shape_cast %swap3A_712 : vector<1x16xf32> to vector<16xf32>
      %swap3A_714 = vector.shape_cast %mul3A_709 : vector<16xf32> to vector<1x16xf32>
      tpu.vector_store %arg7[%swap3A_710, %swap3A_711], %swap3A_714 {strides = array<i32>} : memref<32x384xf32, #tpu.memory_space<vmem>>, vector<1x16xf32>,
      %get3A_715 = arith.constant 224 : index
      %get3A_716 = tpu.vector_load %arg5[%get3A_715] {strides = array<i32>} : memref<384xf32, #tpu.memory_space<vmem>>, vector<16xf32>,
      %get3A_717 = vector.shape_cast %get3A_716 : vector<16xf32> to vector<16xf32>
      %get3A_718 = arith.index_cast %scan3A_534 : i32 to index
      %get3A_719 = arith.constant 224 : index
      %get3A_720 = tpu.vector_load %arg6[%get3A_718, %get3A_719] {strides = array<i32>} : memref<32x384xf32, #tpu.memory_space<vmem>>, vector<1x16xf32>,
      %get3A_721 = vector.shape_cast %get3A_720 : vector<1x16xf32> to vector<16xf32>
      %mul3A_722 = arith.mulf %get3A_717, %get3A_721 : vector<16xf32>
      %swap3A_723 = arith.index_cast %scan3A_534 : i32 to index
      %swap3A_724 = arith.constant 224 : index
      %swap3A_725 = tpu.vector_load %arg7[%swap3A_723, %swap3A_724] {strides = array<i32>} : memref<32x384xf32, #tpu.memory_space<vmem>>, vector<1x16xf32>,
      %swap3A_726 = vector.shape_cast %swap3A_725 : vector<1x16xf32> to vector<16xf32>
      %swap3A_727 = vector.shape_cast %mul3A_722 : vector<16xf32> to vector<1x16xf32>
      tpu.vector_store %arg7[%swap3A_723, %swap3A_724], %swap3A_727 {strides = array<i32>} : memref<32x384xf32, #tpu.memory_space<vmem>>, vector<1x16xf32>,
      %get3A_728 = arith.constant 240 : index
      %get3A_729 = tpu.vector_load %arg5[%get3A_728] {strides = array<i32>} : memref<384xf32, #tpu.memory_space<vmem>>, vector<16xf32>,
      %get3A_730 = vector.shape_cast %get3A_729 : vector<16xf32> to vector<16xf32>
      %get3A_731 = arith.index_cast %scan3A_534 : i32 to index
      %get3A_732 = arith.constant 240 : index
      %get3A_733 = tpu.vector_load %arg6[%get3A_731, %get3A_732] {strides = array<i32>} : memref<32x384xf32, #tpu.memory_space<vmem>>, vector<1x16xf32>,
      %get3A_734 = vector.shape_cast %get3A_733 : vector<1x16xf32> to vector<16xf32>
      %mul3A_735 = arith.mulf %get3A_730, %get3A_734 : vector<16xf32>
      %swap3A_736 = arith.index_cast %scan3A_534 : i32 to index
      %swap3A_737 = arith.constant 240 : index
      %swap3A_738 = tpu.vector_load %arg7[%swap3A_736, %swap3A_737] {strides = array<i32>} : memref<32x384xf32, #tpu.memory_space<vmem>>, vector<1x16xf32>,
      %swap3A_739 = vector.shape_cast %swap3A_738 : vector<1x16xf32> to vector<16xf32>
      %swap3A_740 = vector.shape_cast %mul3A_735 : vector<16xf32> to vector<1x16xf32>
      tpu.vector_store %arg7[%swap3A_736, %swap3A_737], %swap3A_740 {strides = array<i32>} : memref<32x384xf32, #tpu.memory_space<vmem>>, vector<1x16xf32>,
      %get3A_741 = arith.constant 256 : index
      %get3A_742 = tpu.vector_load %arg5[%get3A_741] {strides = array<i32>} : memref<384xf32, #tpu.memory_space<vmem>>, vector<16xf32>,
      %get3A_743 = vector.shape_cast %get3A_742 : vector<16xf32> to vector<16xf32>
      %get3A_744 = arith.index_cast %scan3A_534 : i32 to index
      %get3A_745 = arith.constant 256 : index
      %get3A_746 = tpu.vector_load %arg6[%get3A_744, %get3A_745] {strides = array<i32>} : memref<32x384xf32, #tpu.memory_space<vmem>>, vector<1x16xf32>,
      %get3A_747 = vector.shape_cast %get3A_746 : vector<1x16xf32> to vector<16xf32>
      %mul3A_748 = arith.mulf %get3A_743, %get3A_747 : vector<16xf32>
      %swap3A_749 = arith.index_cast %scan3A_534 : i32 to index
      %swap3A_750 = arith.constant 256 : index
      %swap3A_751 = tpu.vector_load %arg7[%swap3A_749, %swap3A_750] {strides = array<i32>} : memref<32x384xf32, #tpu.memory_space<vmem>>, vector<1x16xf32>,
      %swap3A_752 = vector.shape_cast %swap3A_751 : vector<1x16xf32> to vector<16xf32>
      %swap3A_753 = vector.shape_cast %mul3A_748 : vector<16xf32> to vector<1x16xf32>
      tpu.vector_store %arg7[%swap3A_749, %swap3A_750], %swap3A_753 {strides = array<i32>} : memref<32x384xf32, #tpu.memory_space<vmem>>, vector<1x16xf32>,
      %get3A_754 = arith.constant 272 : index
      %get3A_755 = tpu.vector_load %arg5[%get3A_754] {strides = array<i32>} : memref<384xf32, #tpu.memory_space<vmem>>, vector<16xf32>,
      %get3A_756 = vector.shape_cast %get3A_755 : vector<16xf32> to vector<16xf32>
      %get3A_757 = arith.index_cast %scan3A_534 : i32 to index
      %get3A_758 = arith.constant 272 : index
      %get3A_759 = tpu.vector_load %arg6[%get3A_757, %get3A_758] {strides = array<i32>} : memref<32x384xf32, #tpu.memory_space<vmem>>, vector<1x16xf32>,
      %get3A_760 = vector.shape_cast %get3A_759 : vector<1x16xf32> to vector<16xf32>
      %mul3A_761 = arith.mulf %get3A_756, %get3A_760 : vector<16xf32>
      %swap3A_762 = arith.index_cast %scan3A_534 : i32 to index
      %swap3A_763 = arith.constant 272 : index
      %swap3A_764 = tpu.vector_load %arg7[%swap3A_762, %swap3A_763] {strides = array<i32>} : memref<32x384xf32, #tpu.memory_space<vmem>>, vector<1x16xf32>,
      %swap3A_765 = vector.shape_cast %swap3A_764 : vector<1x16xf32> to vector<16xf32>
      %swap3A_766 = vector.shape_cast %mul3A_761 : vector<16xf32> to vector<1x16xf32>
      tpu.vector_store %arg7[%swap3A_762, %swap3A_763], %swap3A_766 {strides = array<i32>} : memref<32x384xf32, #tpu.memory_space<vmem>>, vector<1x16xf32>,
      %get3A_767 = arith.constant 288 : index
      %get3A_768 = tpu.vector_load %arg5[%get3A_767] {strides = array<i32>} : memref<384xf32, #tpu.memory_space<vmem>>, vector<16xf32>,
      %get3A_769 = vector.shape_cast %get3A_768 : vector<16xf32> to vector<16xf32>
      %get3A_770 = arith.index_cast %scan3A_534 : i32 to index
      %get3A_771 = arith.constant 288 : index
      %get3A_772 = tpu.vector_load %arg6[%get3A_770, %get3A_771] {strides = array<i32>} : memref<32x384xf32, #tpu.memory_space<vmem>>, vector<1x16xf32>,
      %get3A_773 = vector.shape_cast %get3A_772 : vector<1x16xf32> to vector<16xf32>
      %mul3A_774 = arith.mulf %get3A_769, %get3A_773 : vector<16xf32>
      %swap3A_775 = arith.index_cast %scan3A_534 : i32 to index
      %swap3A_776 = arith.constant 288 : index
      %swap3A_777 = tpu.vector_load %arg7[%swap3A_775, %swap3A_776] {strides = array<i32>} : memref<32x384xf32, #tpu.memory_space<vmem>>, vector<1x16xf32>,
      %swap3A_778 = vector.shape_cast %swap3A_777 : vector<1x16xf32> to vector<16xf32>
      %swap3A_779 = vector.shape_cast %mul3A_774 : vector<16xf32> to vector<1x16xf32>
      tpu.vector_store %arg7[%swap3A_775, %swap3A_776], %swap3A_779 {strides = array<i32>} : memref<32x384xf32, #tpu.memory_space<vmem>>, vector<1x16xf32>,
      %get3A_780 = arith.constant 304 : index
      %get3A_781 = tpu.vector_load %arg5[%get3A_780] {strides = array<i32>} : memref<384xf32, #tpu.memory_space<vmem>>, vector<16xf32>,
      %get3A_782 = vector.shape_cast %get3A_781 : vector<16xf32> to vector<16xf32>
      %get3A_783 = arith.index_cast %scan3A_534 : i32 to index
      %get3A_784 = arith.constant 304 : index
      %get3A_785 = tpu.vector_load %arg6[%get3A_783, %get3A_784] {strides = array<i32>} : memref<32x384xf32, #tpu.memory_space<vmem>>, vector<1x16xf32>,
      %get3A_786 = vector.shape_cast %get3A_785 : vector<1x16xf32> to vector<16xf32>
      %mul3A_787 = arith.mulf %get3A_782, %get3A_786 : vector<16xf32>
      %swap3A_788 = arith.index_cast %scan3A_534 : i32 to index
      %swap3A_789 = arith.constant 304 : index
      %swap3A_790 = tpu.vector_load %arg7[%swap3A_788, %swap3A_789] {strides = array<i32>} : memref<32x384xf32, #tpu.memory_space<vmem>>, vector<1x16xf32>,
      %swap3A_791 = vector.shape_cast %swap3A_790 : vector<1x16xf32> to vector<16xf32>
      %swap3A_792 = vector.shape_cast %mul3A_787 : vector<16xf32> to vector<1x16xf32>
      tpu.vector_store %arg7[%swap3A_788, %swap3A_789], %swap3A_792 {strides = array<i32>} : memref<32x384xf32, #tpu.memory_space<vmem>>, vector<1x16xf32>,
      %get3A_793 = arith.constant 320 : index
      %get3A_794 = tpu.vector_load %arg5[%get3A_793] {strides = array<i32>} : memref<384xf32, #tpu.memory_space<vmem>>, vector<16xf32>,
      %get3A_795 = vector.shape_cast %get3A_794 : vector<16xf32> to vector<16xf32>
      %get3A_796 = arith.index_cast %scan3A_534 : i32 to index
      %get3A_797 = arith.constant 320 : index
      %get3A_798 = tpu.vector_load %arg6[%get3A_796, %get3A_797] {strides = array<i32>} : memref<32x384xf32, #tpu.memory_space<vmem>>, vector<1x16xf32>,
      %get3A_799 = vector.shape_cast %get3A_798 : vector<1x16xf32> to vector<16xf32>
      %mul3A_800 = arith.mulf %get3A_795, %get3A_799 : vector<16xf32>
      %swap3A_801 = arith.index_cast %scan3A_534 : i32 to index
      %swap3A_802 = arith.constant 320 : index
      %swap3A_803 = tpu.vector_load %arg7[%swap3A_801, %swap3A_802] {strides = array<i32>} : memref<32x384xf32, #tpu.memory_space<vmem>>, vector<1x16xf32>,
      %swap3A_804 = vector.shape_cast %swap3A_803 : vector<1x16xf32> to vector<16xf32>
      %swap3A_805 = vector.shape_cast %mul3A_800 : vector<16xf32> to vector<1x16xf32>
      tpu.vector_store %arg7[%swap3A_801, %swap3A_802], %swap3A_805 {strides = array<i32>} : memref<32x384xf32, #tpu.memory_space<vmem>>, vector<1x16xf32>,
      %get3A_806 = arith.constant 336 : index
      %get3A_807 = tpu.vector_load %arg5[%get3A_806] {strides = array<i32>} : memref<384xf32, #tpu.memory_space<vmem>>, vector<16xf32>,
      %get3A_808 = vector.shape_cast %get3A_807 : vector<16xf32> to vector<16xf32>
      %get3A_809 = arith.index_cast %scan3A_534 : i32 to index
      %get3A_810 = arith.constant 336 : index
      %get3A_811 = tpu.vector_load %arg6[%get3A_809, %get3A_810] {strides = array<i32>} : memref<32x384xf32, #tpu.memory_space<vmem>>, vector<1x16xf32>,
      %get3A_812 = vector.shape_cast %get3A_811 : vector<1x16xf32> to vector<16xf32>
      %mul3A_813 = arith.mulf %get3A_808, %get3A_812 : vector<16xf32>
      %swap3A_814 = arith.index_cast %scan3A_534 : i32 to index
      %swap3A_815 = arith.constant 336 : index
      %swap3A_816 = tpu.vector_load %arg7[%swap3A_814, %swap3A_815] {strides = array<i32>} : memref<32x384xf32, #tpu.memory_space<vmem>>, vector<1x16xf32>,
      %swap3A_817 = vector.shape_cast %swap3A_816 : vector<1x16xf32> to vector<16xf32>
      %swap3A_818 = vector.shape_cast %mul3A_813 : vector<16xf32> to vector<1x16xf32>
      tpu.vector_store %arg7[%swap3A_814, %swap3A_815], %swap3A_818 {strides = array<i32>} : memref<32x384xf32, #tpu.memory_space<vmem>>, vector<1x16xf32>,
      %get3A_819 = arith.constant 352 : index
      %get3A_820 = tpu.vector_load %arg5[%get3A_819] {strides = array<i32>} : memref<384xf32, #tpu.memory_space<vmem>>, vector<16xf32>,
      %get3A_821 = vector.shape_cast %get3A_820 : vector<16xf32> to vector<16xf32>
      %get3A_822 = arith.index_cast %scan3A_534 : i32 to index
      %get3A_823 = arith.constant 352 : index
      %get3A_824 = tpu.vector_load %arg6[%get3A_822, %get3A_823] {strides = array<i32>} : memref<32x384xf32, #tpu.memory_space<vmem>>, vector<1x16xf32>,
      %get3A_825 = vector.shape_cast %get3A_824 : vector<1x16xf32> to vector<16xf32>
      %mul3A_826 = arith.mulf %get3A_821, %get3A_825 : vector<16xf32>
      %swap3A_827 = arith.index_cast %scan3A_534 : i32 to index
      %swap3A_828 = arith.constant 352 : index
      %swap3A_829 = tpu.vector_load %arg7[%swap3A_827, %swap3A_828] {strides = array<i32>} : memref<32x384xf32, #tpu.memory_space<vmem>>, vector<1x16xf32>,
      %swap3A_830 = vector.shape_cast %swap3A_829 : vector<1x16xf32> to vector<16xf32>
      %swap3A_831 = vector.shape_cast %mul3A_826 : vector<16xf32> to vector<1x16xf32>
      tpu.vector_store %arg7[%swap3A_827, %swap3A_828], %swap3A_831 {strides = array<i32>} : memref<32x384xf32, #tpu.memory_space<vmem>>, vector<1x16xf32>,
      %get3A_832 = arith.constant 368 : index
      %get3A_833 = tpu.vector_load %arg5[%get3A_832] {strides = array<i32>} : memref<384xf32, #tpu.memory_space<vmem>>, vector<16xf32>,
      %get3A_834 = vector.shape_cast %get3A_833 : vector<16xf32> to vector<16xf32>
      %get3A_835 = arith.index_cast %scan3A_534 : i32 to index
      %get3A_836 = arith.constant 368 : index
      %get3A_837 = tpu.vector_load %arg6[%get3A_835, %get3A_836] {strides = array<i32>} : memref<32x384xf32, #tpu.memory_space<vmem>>, vector<1x16xf32>,
      %get3A_838 = vector.shape_cast %get3A_837 : vector<1x16xf32> to vector<16xf32>
      %mul3A_839 = arith.mulf %get3A_834, %get3A_838 : vector<16xf32>
      %swap3A_840 = arith.index_cast %scan3A_534 : i32 to index
      %swap3A_841 = arith.constant 368 : index
      %swap3A_842 = tpu.vector_load %arg7[%swap3A_840, %swap3A_841] {strides = array<i32>} : memref<32x384xf32, #tpu.memory_space<vmem>>, vector<1x16xf32>,
      %swap3A_843 = vector.shape_cast %swap3A_842 : vector<1x16xf32> to vector<16xf32>
      %swap3A_844 = vector.shape_cast %mul3A_839 : vector<16xf32> to vector<1x16xf32>
      tpu.vector_store %arg7[%swap3A_840, %swap3A_841], %swap3A_844 {strides = array<i32>} : memref<32x384xf32, #tpu.memory_space<vmem>>, vector<1x16xf32>,
    }
    %scan3A_189 = arith.constant 16 : i32
    %mul3A_190 = arith.constant 32 : i32
    %mul3A_191 = arith.muli %add3A, %mul3A_190 : i32
    %add3A_192 = arith.constant 16 : i32
    %add3A_193 = arith.addi %mul3A_191, %add3A_192 : i32
    %dma_start3A_194 = arith.constant 0 : i32
    %dma_start3A_195 = arith.constant 16 : i32
    %dma_start3A_196 = arith.constant 0 : i32
    %dma_start3A_197 = tpu.memref_slice %arg7[%dma_start3A_195, %dma_start3A_196] : memref<32x384xf32, #tpu.memory_space<vmem>> -> memref<16x384xf32, #tpu.memory_space<vmem>>
    %dma_start3A_198 = arith.constant 0 : i32
    %dma_start3A_199 = tpu.memref_slice %arg4[%dma_start3A_194, %add3A_193, %dma_start3A_198] : memref<8x1024x384xf32, #tpu.memory_space<hbm>> -> memref<1x16x384xf32, #tpu.memory_space<hbm>>
    %dma_start3A_200 = tpu.memref_squeeze %dma_start3A_199 : memref<1x16x384xf32, #tpu.memory_space<hbm>> -> memref<16x384xf32, #tpu.memory_space<hbm>>
    %dma_start3A_201 = arith.constant 0 : i32
    %dma_start3A_202 = tpu.memref_slice %arg4[%dma_start3A_194, %add3A_193, %dma_start3A_201] : memref<8x1024x384xf32, #tpu.memory_space<hbm>> -> memref<1x16x384xf32, #tpu.memory_space<hbm>>
    %dma_start3A_203 = tpu.memref_squeeze %dma_start3A_202 : memref<1x16x384xf32, #tpu.memory_space<hbm>> -> memref<16x384xf32, #tpu.memory_space<hbm>>
    %dma_start3A_204 = arith.constant 16 : i32
    %dma_start3A_205 = arith.constant 0 : i32
    %dma_start3A_206 = tpu.memref_slice %arg7[%dma_start3A_204, %dma_start3A_205] : memref<32x384xf32, #tpu.memory_space<vmem>> -> memref<16x384xf32, #tpu.memory_space<vmem>>
    tpu.enqueue_dma source(%dma_start3A_206 : memref<16x384xf32, #tpu.memory_space<vmem>>) target(%dma_start3A_203 : memref<16x384xf32, #tpu.memory_space<hbm>>) target_semaphore(%arg10 : memref<!tpu.dma_semaphore, #tpu.memory_space<semaphore_mem>>)
    %mul3A_207 = arith.constant 32 : i32
    %mul3A_208 = arith.muli %add3A, %mul3A_207 : i32
    %add3A_209 = arith.constant 16 : i32
    %add3A_210 = arith.addi %mul3A_208, %add3A_209 : i32
    %dma_start3A_211 = arith.constant 1 : i32
    %dma_start3A_212 = arith.constant 16 : i32
    %dma_start3A_213 = arith.constant 0 : i32
    %dma_start3A_214 = tpu.memref_slice %arg7[%dma_start3A_212, %dma_start3A_213] : memref<32x384xf32, #tpu.memory_space<vmem>> -> memref<16x384xf32, #tpu.memory_space<vmem>>
    %dma_start3A_215 = arith.constant 0 : i32
    %dma_start3A_216 = tpu.memref_slice %arg4[%dma_start3A_211, %add3A_210, %dma_start3A_215] : memref<8x1024x384xf32, #tpu.memory_space<hbm>> -> memref<1x16x384xf32, #tpu.memory_space<hbm>>
    %dma_start3A_217 = tpu.memref_squeeze %dma_start3A_216 : memref<1x16x384xf32, #tpu.memory_space<hbm>> -> memref<16x384xf32, #tpu.memory_space<hbm>>
    %dma_start3A_218 = arith.constant 0 : i32
    %dma_start3A_219 = tpu.memref_slice %arg4[%dma_start3A_211, %add3A_210, %dma_start3A_218] : memref<8x1024x384xf32, #tpu.memory_space<hbm>> -> memref<1x16x384xf32, #tpu.memory_space<hbm>>
    %dma_start3A_220 = tpu.memref_squeeze %dma_start3A_219 : memref<1x16x384xf32, #tpu.memory_space<hbm>> -> memref<16x384xf32, #tpu.memory_space<hbm>>
    %dma_start3A_221 = arith.constant 16 : i32
    %dma_start3A_222 = arith.constant 0 : i32
    %dma_start3A_223 = tpu.memref_slice %arg7[%dma_start3A_221, %dma_start3A_222] : memref<32x384xf32, #tpu.memory_space<vmem>> -> memref<16x384xf32, #tpu.memory_space<vmem>>
    tpu.enqueue_dma source(%dma_start3A_223 : memref<16x384xf32, #tpu.memory_space<vmem>>) target(%dma_start3A_220 : memref<16x384xf32, #tpu.memory_space<hbm>>) target_semaphore(%arg10 : memref<!tpu.dma_semaphore, #tpu.memory_space<semaphore_mem>>)
    %mul3A_224 = arith.constant 32 : i32
    %mul3A_225 = arith.muli %add3A, %mul3A_224 : i32
    %add3A_226 = arith.constant 16 : i32
    %add3A_227 = arith.addi %mul3A_225, %add3A_226 : i32
    %dma_start3A_228 = arith.constant 2 : i32
    %dma_start3A_229 = arith.constant 16 : i32
    %dma_start3A_230 = arith.constant 0 : i32
    %dma_start3A_231 = tpu.memref_slice %arg7[%dma_start3A_229, %dma_start3A_230] : memref<32x384xf32, #tpu.memory_space<vmem>> -> memref<16x384xf32, #tpu.memory_space<vmem>>
    %dma_start3A_232 = arith.constant 0 : i32
    %dma_start3A_233 = tpu.memref_slice %arg4[%dma_start3A_228, %add3A_227, %dma_start3A_232] : memref<8x1024x384xf32, #tpu.memory_space<hbm>> -> memref<1x16x384xf32, #tpu.memory_space<hbm>>
    %dma_start3A_234 = tpu.memref_squeeze %dma_start3A_233 : memref<1x16x384xf32, #tpu.memory_space<hbm>> -> memref<16x384xf32, #tpu.memory_space<hbm>>
    %dma_start3A_235 = arith.constant 0 : i32
    %dma_start3A_236 = tpu.memref_slice %arg4[%dma_start3A_228, %add3A_227, %dma_start3A_235] : memref<8x1024x384xf32, #tpu.memory_space<hbm>> -> memref<1x16x384xf32, #tpu.memory_space<hbm>>
    %dma_start3A_237 = tpu.memref_squeeze %dma_start3A_236 : memref<1x16x384xf32, #tpu.memory_space<hbm>> -> memref<16x384xf32, #tpu.memory_space<hbm>>
    %dma_start3A_238 = arith.constant 16 : i32
    %dma_start3A_239 = arith.constant 0 : i32
    %dma_start3A_240 = tpu.memref_slice %arg7[%dma_start3A_238, %dma_start3A_239] : memref<32x384xf32, #tpu.memory_space<vmem>> -> memref<16x384xf32, #tpu.memory_space<vmem>>
    tpu.enqueue_dma source(%dma_start3A_240 : memref<16x384xf32, #tpu.memory_space<vmem>>) target(%dma_start3A_237 : memref<16x384xf32, #tpu.memory_space<hbm>>) target_semaphore(%arg10 : memref<!tpu.dma_semaphore, #tpu.memory_space<semaphore_mem>>)
    %mul3A_241 = arith.constant 32 : i32
    %mul3A_242 = arith.muli %add3A, %mul3A_241 : i32
    %add3A_243 = arith.constant 16 : i32
    %add3A_244 = arith.addi %mul3A_242, %add3A_243 : i32
    %dma_start3A_245 = arith.constant 3 : i32
    %dma_start3A_246 = arith.constant 16 : i32
    %dma_start3A_247 = arith.constant 0 : i32
    %dma_start3A_248 = tpu.memref_slice %arg7[%dma_start3A_246, %dma_start3A_247] : memref<32x384xf32, #tpu.memory_space<vmem>> -> memref<16x384xf32, #tpu.memory_space<vmem>>
    %dma_start3A_249 = arith.constant 0 : i32
    %dma_start3A_250 = tpu.memref_slice %arg4[%dma_start3A_245, %add3A_244, %dma_start3A_249] : memref<8x1024x384xf32, #tpu.memory_space<hbm>> -> memref<1x16x384xf32, #tpu.memory_space<hbm>>
    %dma_start3A_251 = tpu.memref_squeeze %dma_start3A_250 : memref<1x16x384xf32, #tpu.memory_space<hbm>> -> memref<16x384xf32, #tpu.memory_space<hbm>>
    %dma_start3A_252 = arith.constant 0 : i32
    %dma_start3A_253 = tpu.memref_slice %arg4[%dma_start3A_245, %add3A_244, %dma_start3A_252] : memref<8x1024x384xf32, #tpu.memory_space<hbm>> -> memref<1x16x384xf32, #tpu.memory_space<hbm>>
    %dma_start3A_254 = tpu.memref_squeeze %dma_start3A_253 : memref<1x16x384xf32, #tpu.memory_space<hbm>> -> memref<16x384xf32, #tpu.memory_space<hbm>>
    %dma_start3A_255 = arith.constant 16 : i32
    %dma_start3A_256 = arith.constant 0 : i32
    %dma_start3A_257 = tpu.memref_slice %arg7[%dma_start3A_255, %dma_start3A_256] : memref<32x384xf32, #tpu.memory_space<vmem>> -> memref<16x384xf32, #tpu.memory_space<vmem>>
    tpu.enqueue_dma source(%dma_start3A_257 : memref<16x384xf32, #tpu.memory_space<vmem>>) target(%dma_start3A_254 : memref<16x384xf32, #tpu.memory_space<hbm>>) target_semaphore(%arg10 : memref<!tpu.dma_semaphore, #tpu.memory_space<semaphore_mem>>)
    %mul3A_258 = arith.constant 32 : i32
    %mul3A_259 = arith.muli %add3A, %mul3A_258 : i32
    %add3A_260 = arith.constant 16 : i32
    %add3A_261 = arith.addi %mul3A_259, %add3A_260 : i32
    %dma_start3A_262 = arith.constant 4 : i32
    %dma_start3A_263 = arith.constant 16 : i32
    %dma_start3A_264 = arith.constant 0 : i32
    %dma_start3A_265 = tpu.memref_slice %arg7[%dma_start3A_263, %dma_start3A_264] : memref<32x384xf32, #tpu.memory_space<vmem>> -> memref<16x384xf32, #tpu.memory_space<vmem>>
    %dma_start3A_266 = arith.constant 0 : i32
    %dma_start3A_267 = tpu.memref_slice %arg4[%dma_start3A_262, %add3A_261, %dma_start3A_266] : memref<8x1024x384xf32, #tpu.memory_space<hbm>> -> memref<1x16x384xf32, #tpu.memory_space<hbm>>
    %dma_start3A_268 = tpu.memref_squeeze %dma_start3A_267 : memref<1x16x384xf32, #tpu.memory_space<hbm>> -> memref<16x384xf32, #tpu.memory_space<hbm>>
    %dma_start3A_269 = arith.constant 0 : i32
    %dma_start3A_270 = tpu.memref_slice %arg4[%dma_start3A_262, %add3A_261, %dma_start3A_269] : memref<8x1024x384xf32, #tpu.memory_space<hbm>> -> memref<1x16x384xf32, #tpu.memory_space<hbm>>
    %dma_start3A_271 = tpu.memref_squeeze %dma_start3A_270 : memref<1x16x384xf32, #tpu.memory_space<hbm>> -> memref<16x384xf32, #tpu.memory_space<hbm>>
    %dma_start3A_272 = arith.constant 16 : i32
    %dma_start3A_273 = arith.constant 0 : i32
    %dma_start3A_274 = tpu.memref_slice %arg7[%dma_start3A_272, %dma_start3A_273] : memref<32x384xf32, #tpu.memory_space<vmem>> -> memref<16x384xf32, #tpu.memory_space<vmem>>
    tpu.enqueue_dma source(%dma_start3A_274 : memref<16x384xf32, #tpu.memory_space<vmem>>) target(%dma_start3A_271 : memref<16x384xf32, #tpu.memory_space<hbm>>) target_semaphore(%arg10 : memref<!tpu.dma_semaphore, #tpu.memory_space<semaphore_mem>>)
    %mul3A_275 = arith.constant 32 : i32
    %mul3A_276 = arith.muli %add3A, %mul3A_275 : i32
    %add3A_277 = arith.constant 16 : i32
    %add3A_278 = arith.addi %mul3A_276, %add3A_277 : i32
    %dma_start3A_279 = arith.constant 5 : i32
    %dma_start3A_280 = arith.constant 16 : i32
    %dma_start3A_281 = arith.constant 0 : i32
    %dma_start3A_282 = tpu.memref_slice %arg7[%dma_start3A_280, %dma_start3A_281] : memref<32x384xf32, #tpu.memory_space<vmem>> -> memref<16x384xf32, #tpu.memory_space<vmem>>
    %dma_start3A_283 = arith.constant 0 : i32
    %dma_start3A_284 = tpu.memref_slice %arg4[%dma_start3A_279, %add3A_278, %dma_start3A_283] : memref<8x1024x384xf32, #tpu.memory_space<hbm>> -> memref<1x16x384xf32, #tpu.memory_space<hbm>>
    %dma_start3A_285 = tpu.memref_squeeze %dma_start3A_284 : memref<1x16x384xf32, #tpu.memory_space<hbm>> -> memref<16x384xf32, #tpu.memory_space<hbm>>
    %dma_start3A_286 = arith.constant 0 : i32
    %dma_start3A_287 = tpu.memref_slice %arg4[%dma_start3A_279, %add3A_278, %dma_start3A_286] : memref<8x1024x384xf32, #tpu.memory_space<hbm>> -> memref<1x16x384xf32, #tpu.memory_space<hbm>>
    %dma_start3A_288 = tpu.memref_squeeze %dma_start3A_287 : memref<1x16x384xf32, #tpu.memory_space<hbm>> -> memref<16x384xf32, #tpu.memory_space<hbm>>
    %dma_start3A_289 = arith.constant 16 : i32
    %dma_start3A_290 = arith.constant 0 : i32
    %dma_start3A_291 = tpu.memref_slice %arg7[%dma_start3A_289, %dma_start3A_290] : memref<32x384xf32, #tpu.memory_space<vmem>> -> memref<16x384xf32, #tpu.memory_space<vmem>>
    tpu.enqueue_dma source(%dma_start3A_291 : memref<16x384xf32, #tpu.memory_space<vmem>>) target(%dma_start3A_288 : memref<16x384xf32, #tpu.memory_space<hbm>>) target_semaphore(%arg10 : memref<!tpu.dma_semaphore, #tpu.memory_space<semaphore_mem>>)
    %mul3A_292 = arith.constant 32 : i32
    %mul3A_293 = arith.muli %add3A, %mul3A_292 : i32
    %add3A_294 = arith.constant 16 : i32
    %add3A_295 = arith.addi %mul3A_293, %add3A_294 : i32
    %dma_start3A_296 = arith.constant 6 : i32
    %dma_start3A_297 = arith.constant 16 : i32
    %dma_start3A_298 = arith.constant 0 : i32
    %dma_start3A_299 = tpu.memref_slice %arg7[%dma_start3A_297, %dma_start3A_298] : memref<32x384xf32, #tpu.memory_space<vmem>> -> memref<16x384xf32, #tpu.memory_space<vmem>>
    %dma_start3A_300 = arith.constant 0 : i32
    %dma_start3A_301 = tpu.memref_slice %arg4[%dma_start3A_296, %add3A_295, %dma_start3A_300] : memref<8x1024x384xf32, #tpu.memory_space<hbm>> -> memref<1x16x384xf32, #tpu.memory_space<hbm>>
    %dma_start3A_302 = tpu.memref_squeeze %dma_start3A_301 : memref<1x16x384xf32, #tpu.memory_space<hbm>> -> memref<16x384xf32, #tpu.memory_space<hbm>>
    %dma_start3A_303 = arith.constant 0 : i32
    %dma_start3A_304 = tpu.memref_slice %arg4[%dma_start3A_296, %add3A_295, %dma_start3A_303] : memref<8x1024x384xf32, #tpu.memory_space<hbm>> -> memref<1x16x384xf32, #tpu.memory_space<hbm>>
    %dma_start3A_305 = tpu.memref_squeeze %dma_start3A_304 : memref<1x16x384xf32, #tpu.memory_space<hbm>> -> memref<16x384xf32, #tpu.memory_space<hbm>>
    %dma_start3A_306 = arith.constant 16 : i32
    %dma_start3A_307 = arith.constant 0 : i32
    %dma_start3A_308 = tpu.memref_slice %arg7[%dma_start3A_306, %dma_start3A_307] : memref<32x384xf32, #tpu.memory_space<vmem>> -> memref<16x384xf32, #tpu.memory_space<vmem>>
    tpu.enqueue_dma source(%dma_start3A_308 : memref<16x384xf32, #tpu.memory_space<vmem>>) target(%dma_start3A_305 : memref<16x384xf32, #tpu.memory_space<hbm>>) target_semaphore(%arg10 : memref<!tpu.dma_semaphore, #tpu.memory_space<semaphore_mem>>)
    %mul3A_309 = arith.constant 32 : i32
    %mul3A_310 = arith.muli %add3A, %mul3A_309 : i32
    %add3A_311 = arith.constant 16 : i32
    %add3A_312 = arith.addi %mul3A_310, %add3A_311 : i32
    %dma_start3A_313 = arith.constant 7 : i32
    %dma_start3A_314 = arith.constant 16 : i32
    %dma_start3A_315 = arith.constant 0 : i32
    %dma_start3A_316 = tpu.memref_slice %arg7[%dma_start3A_314, %dma_start3A_315] : memref<32x384xf32, #tpu.memory_space<vmem>> -> memref<16x384xf32, #tpu.memory_space<vmem>>
    %dma_start3A_317 = arith.constant 0 : i32
    %dma_start3A_318 = tpu.memref_slice %arg4[%dma_start3A_313, %add3A_312, %dma_start3A_317] : memref<8x1024x384xf32, #tpu.memory_space<hbm>> -> memref<1x16x384xf32, #tpu.memory_space<hbm>>
    %dma_start3A_319 = tpu.memref_squeeze %dma_start3A_318 : memref<1x16x384xf32, #tpu.memory_space<hbm>> -> memref<16x384xf32, #tpu.memory_space<hbm>>
    %dma_start3A_320 = arith.constant 0 : i32
    %dma_start3A_321 = tpu.memref_slice %arg4[%dma_start3A_313, %add3A_312, %dma_start3A_320] : memref<8x1024x384xf32, #tpu.memory_space<hbm>> -> memref<1x16x384xf32, #tpu.memory_space<hbm>>
    %dma_start3A_322 = tpu.memref_squeeze %dma_start3A_321 : memref<1x16x384xf32, #tpu.memory_space<hbm>> -> memref<16x384xf32, #tpu.memory_space<hbm>>
    %dma_start3A_323 = arith.constant 16 : i32
    %dma_start3A_324 = arith.constant 0 : i32
    %dma_start3A_325 = tpu.memref_slice %arg7[%dma_start3A_323, %dma_start3A_324] : memref<32x384xf32, #tpu.memory_space<vmem>> -> memref<16x384xf32, #tpu.memory_space<vmem>>
    tpu.enqueue_dma source(%dma_start3A_325 : memref<16x384xf32, #tpu.memory_space<vmem>>) target(%dma_start3A_322 : memref<16x384xf32, #tpu.memory_space<hbm>>) target_semaphore(%arg10 : memref<!tpu.dma_semaphore, #tpu.memory_space<semaphore_mem>>)
    %dma_wait3A_326 = arith.constant 0 : i32
    %dma_wait3A_327 = arith.constant 0 : i32
    %dma_wait3A_328 = arith.constant 0 : i32
    %dma_wait3A_329 = tpu.memref_slice %arg7[%dma_wait3A_327, %dma_wait3A_328] : memref<32x384xf32, #tpu.memory_space<vmem>> -> memref<16x384xf32, #tpu.memory_space<vmem>>
    %dma_wait3A_330 = arith.constant 0 : i32
    %dma_wait3A_331 = tpu.memref_slice %arg4[%dma_wait3A_326, %mul3A_53, %dma_wait3A_330] : memref<8x1024x384xf32, #tpu.memory_space<hbm>> -> memref<1x16x384xf32, #tpu.memory_space<hbm>>
    %dma_wait3A_332 = tpu.memref_squeeze %dma_wait3A_331 : memref<1x16x384xf32, #tpu.memory_space<hbm>> -> memref<16x384xf32, #tpu.memory_space<hbm>>
    %dma_wait3A_333 = arith.constant 0 : i32
    %dma_wait3A_334 = tpu.memref_slice %arg4[%dma_wait3A_326, %mul3A_53, %dma_wait3A_333] : memref<8x1024x384xf32, #tpu.memory_space<hbm>> -> memref<1x16x384xf32, #tpu.memory_space<hbm>>
    %dma_wait3A_335 = tpu.memref_squeeze %dma_wait3A_334 : memref<1x16x384xf32, #tpu.memory_space<hbm>> -> memref<16x384xf32, #tpu.memory_space<hbm>>
    %dma_wait3A_336 = arith.constant 0 : i32
    %dma_wait3A_337 = arith.constant 0 : i32
    %dma_wait3A_338 = tpu.memref_slice %arg7[%dma_wait3A_336, %dma_wait3A_337] : memref<32x384xf32, #tpu.memory_space<vmem>> -> memref<16x384xf32, #tpu.memory_space<vmem>>
    tpu.wait_dma2 semaphore(%arg10 : memref<!tpu.dma_semaphore, #tpu.memory_space<semaphore_mem>>) src(%dma_wait3A_338 : memref<16x384xf32, #tpu.memory_space<vmem>>) dst(%dma_wait3A_335 : memref<16x384xf32, #tpu.memory_space<hbm>>)
    %dma_wait3A_339 = arith.constant 1 : i32
    %dma_wait3A_340 = arith.constant 0 : i32
    %dma_wait3A_341 = arith.constant 0 : i32
    %dma_wait3A_342 = tpu.memref_slice %arg7[%dma_wait3A_340, %dma_wait3A_341] : memref<32x384xf32, #tpu.memory_space<vmem>> -> memref<16x384xf32, #tpu.memory_space<vmem>>
    %dma_wait3A_343 = arith.constant 0 : i32
    %dma_wait3A_344 = tpu.memref_slice %arg4[%dma_wait3A_339, %mul3A_68, %dma_wait3A_343] : memref<8x1024x384xf32, #tpu.memory_space<hbm>> -> memref<1x16x384xf32, #tpu.memory_space<hbm>>
    %dma_wait3A_345 = tpu.memref_squeeze %dma_wait3A_344 : memref<1x16x384xf32, #tpu.memory_space<hbm>> -> memref<16x384xf32, #tpu.memory_space<hbm>>
    %dma_wait3A_346 = arith.constant 0 : i32
    %dma_wait3A_347 = tpu.memref_slice %arg4[%dma_wait3A_339, %mul3A_68, %dma_wait3A_346] : memref<8x1024x384xf32, #tpu.memory_space<hbm>> -> memref<1x16x384xf32, #tpu.memory_space<hbm>>
    %dma_wait3A_348 = tpu.memref_squeeze %dma_wait3A_347 : memref<1x16x384xf32, #tpu.memory_space<hbm>> -> memref<16x384xf32, #tpu.memory_space<hbm>>
    %dma_wait3A_349 = arith.constant 0 : i32
    %dma_wait3A_350 = arith.constant 0 : i32
    %dma_wait3A_351 = tpu.memref_slice %arg7[%dma_wait3A_349, %dma_wait3A_350] : memref<32x384xf32, #tpu.memory_space<vmem>> -> memref<16x384xf32, #tpu.memory_space<vmem>>
    tpu.wait_dma2 semaphore(%arg10 : memref<!tpu.dma_semaphore, #tpu.memory_space<semaphore_mem>>) src(%dma_wait3A_351 : memref<16x384xf32, #tpu.memory_space<vmem>>) dst(%dma_wait3A_348 : memref<16x384xf32, #tpu.memory_space<hbm>>)
    %dma_wait3A_352 = arith.constant 2 : i32
    %dma_wait3A_353 = arith.constant 0 : i32
    %dma_wait3A_354 = arith.constant 0 : i32
    %dma_wait3A_355 = tpu.memref_slice %arg7[%dma_wait3A_353, %dma_wait3A_354] : memref<32x384xf32, #tpu.memory_space<vmem>> -> memref<16x384xf32, #tpu.memory_space<vmem>>
    %dma_wait3A_356 = arith.constant 0 : i32
    %dma_wait3A_357 = tpu.memref_slice %arg4[%dma_wait3A_352, %mul3A_83, %dma_wait3A_356] : memref<8x1024x384xf32, #tpu.memory_space<hbm>> -> memref<1x16x384xf32, #tpu.memory_space<hbm>>
    %dma_wait3A_358 = tpu.memref_squeeze %dma_wait3A_357 : memref<1x16x384xf32, #tpu.memory_space<hbm>> -> memref<16x384xf32, #tpu.memory_space<hbm>>
    %dma_wait3A_359 = arith.constant 0 : i32
    %dma_wait3A_360 = tpu.memref_slice %arg4[%dma_wait3A_352, %mul3A_83, %dma_wait3A_359] : memref<8x1024x384xf32, #tpu.memory_space<hbm>> -> memref<1x16x384xf32, #tpu.memory_space<hbm>>
    %dma_wait3A_361 = tpu.memref_squeeze %dma_wait3A_360 : memref<1x16x384xf32, #tpu.memory_space<hbm>> -> memref<16x384xf32, #tpu.memory_space<hbm>>
    %dma_wait3A_362 = arith.constant 0 : i32
    %dma_wait3A_363 = arith.constant 0 : i32
    %dma_wait3A_364 = tpu.memref_slice %arg7[%dma_wait3A_362, %dma_wait3A_363] : memref<32x384xf32, #tpu.memory_space<vmem>> -> memref<16x384xf32, #tpu.memory_space<vmem>>
    tpu.wait_dma2 semaphore(%arg10 : memref<!tpu.dma_semaphore, #tpu.memory_space<semaphore_mem>>) src(%dma_wait3A_364 : memref<16x384xf32, #tpu.memory_space<vmem>>) dst(%dma_wait3A_361 : memref<16x384xf32, #tpu.memory_space<hbm>>)
    %dma_wait3A_365 = arith.constant 3 : i32
    %dma_wait3A_366 = arith.constant 0 : i32
    %dma_wait3A_367 = arith.constant 0 : i32
    %dma_wait3A_368 = tpu.memref_slice %arg7[%dma_wait3A_366, %dma_wait3A_367] : memref<32x384xf32, #tpu.memory_space<vmem>> -> memref<16x384xf32, #tpu.memory_space<vmem>>
    %dma_wait3A_369 = arith.constant 0 : i32
    %dma_wait3A_370 = tpu.memref_slice %arg4[%dma_wait3A_365, %mul3A_98, %dma_wait3A_369] : memref<8x1024x384xf32, #tpu.memory_space<hbm>> -> memref<1x16x384xf32, #tpu.memory_space<hbm>>
    %dma_wait3A_371 = tpu.memref_squeeze %dma_wait3A_370 : memref<1x16x384xf32, #tpu.memory_space<hbm>> -> memref<16x384xf32, #tpu.memory_space<hbm>>
    %dma_wait3A_372 = arith.constant 0 : i32
    %dma_wait3A_373 = tpu.memref_slice %arg4[%dma_wait3A_365, %mul3A_98, %dma_wait3A_372] : memref<8x1024x384xf32, #tpu.memory_space<hbm>> -> memref<1x16x384xf32, #tpu.memory_space<hbm>>
    %dma_wait3A_374 = tpu.memref_squeeze %dma_wait3A_373 : memref<1x16x384xf32, #tpu.memory_space<hbm>> -> memref<16x384xf32, #tpu.memory_space<hbm>>
    %dma_wait3A_375 = arith.constant 0 : i32
    %dma_wait3A_376 = arith.constant 0 : i32
    %dma_wait3A_377 = tpu.memref_slice %arg7[%dma_wait3A_375, %dma_wait3A_376] : memref<32x384xf32, #tpu.memory_space<vmem>> -> memref<16x384xf32, #tpu.memory_space<vmem>>
    tpu.wait_dma2 semaphore(%arg10 : memref<!tpu.dma_semaphore, #tpu.memory_space<semaphore_mem>>) src(%dma_wait3A_377 : memref<16x384xf32, #tpu.memory_space<vmem>>) dst(%dma_wait3A_374 : memref<16x384xf32, #tpu.memory_space<hbm>>)
    %dma_wait3A_378 = arith.constant 4 : i32
    %dma_wait3A_379 = arith.constant 0 : i32
    %dma_wait3A_380 = arith.constant 0 : i32
    %dma_wait3A_381 = tpu.memref_slice %arg7[%dma_wait3A_379, %dma_wait3A_380] : memref<32x384xf32, #tpu.memory_space<vmem>> -> memref<16x384xf32, #tpu.memory_space<vmem>>
    %dma_wait3A_382 = arith.constant 0 : i32
    %dma_wait3A_383 = tpu.memref_slice %arg4[%dma_wait3A_378, %mul3A_113, %dma_wait3A_382] : memref<8x1024x384xf32, #tpu.memory_space<hbm>> -> memref<1x16x384xf32, #tpu.memory_space<hbm>>
    %dma_wait3A_384 = tpu.memref_squeeze %dma_wait3A_383 : memref<1x16x384xf32, #tpu.memory_space<hbm>> -> memref<16x384xf32, #tpu.memory_space<hbm>>
    %dma_wait3A_385 = arith.constant 0 : i32
    %dma_wait3A_386 = tpu.memref_slice %arg4[%dma_wait3A_378, %mul3A_113, %dma_wait3A_385] : memref<8x1024x384xf32, #tpu.memory_space<hbm>> -> memref<1x16x384xf32, #tpu.memory_space<hbm>>
    %dma_wait3A_387 = tpu.memref_squeeze %dma_wait3A_386 : memref<1x16x384xf32, #tpu.memory_space<hbm>> -> memref<16x384xf32, #tpu.memory_space<hbm>>
    %dma_wait3A_388 = arith.constant 0 : i32
    %dma_wait3A_389 = arith.constant 0 : i32
    %dma_wait3A_390 = tpu.memref_slice %arg7[%dma_wait3A_388, %dma_wait3A_389] : memref<32x384xf32, #tpu.memory_space<vmem>> -> memref<16x384xf32, #tpu.memory_space<vmem>>
    tpu.wait_dma2 semaphore(%arg10 : memref<!tpu.dma_semaphore, #tpu.memory_space<semaphore_mem>>) src(%dma_wait3A_390 : memref<16x384xf32, #tpu.memory_space<vmem>>) dst(%dma_wait3A_387 : memref<16x384xf32, #tpu.memory_space<hbm>>)
    %dma_wait3A_391 = arith.constant 5 : i32
    %dma_wait3A_392 = arith.constant 0 : i32
    %dma_wait3A_393 = arith.constant 0 : i32
    %dma_wait3A_394 = tpu.memref_slice %arg7[%dma_wait3A_392, %dma_wait3A_393] : memref<32x384xf32, #tpu.memory_space<vmem>> -> memref<16x384xf32, #tpu.memory_space<vmem>>
    %dma_wait3A_395 = arith.constant 0 : i32
    %dma_wait3A_396 = tpu.memref_slice %arg4[%dma_wait3A_391, %mul3A_128, %dma_wait3A_395] : memref<8x1024x384xf32, #tpu.memory_space<hbm>> -> memref<1x16x384xf32, #tpu.memory_space<hbm>>
    %dma_wait3A_397 = tpu.memref_squeeze %dma_wait3A_396 : memref<1x16x384xf32, #tpu.memory_space<hbm>> -> memref<16x384xf32, #tpu.memory_space<hbm>>
    %dma_wait3A_398 = arith.constant 0 : i32
    %dma_wait3A_399 = tpu.memref_slice %arg4[%dma_wait3A_391, %mul3A_128, %dma_wait3A_398] : memref<8x1024x384xf32, #tpu.memory_space<hbm>> -> memref<1x16x384xf32, #tpu.memory_space<hbm>>
    %dma_wait3A_400 = tpu.memref_squeeze %dma_wait3A_399 : memref<1x16x384xf32, #tpu.memory_space<hbm>> -> memref<16x384xf32, #tpu.memory_space<hbm>>
    %dma_wait3A_401 = arith.constant 0 : i32
    %dma_wait3A_402 = arith.constant 0 : i32
    %dma_wait3A_403 = tpu.memref_slice %arg7[%dma_wait3A_401, %dma_wait3A_402] : memref<32x384xf32, #tpu.memory_space<vmem>> -> memref<16x384xf32, #tpu.memory_space<vmem>>
    tpu.wait_dma2 semaphore(%arg10 : memref<!tpu.dma_semaphore, #tpu.memory_space<semaphore_mem>>) src(%dma_wait3A_403 : memref<16x384xf32, #tpu.memory_space<vmem>>) dst(%dma_wait3A_400 : memref<16x384xf32, #tpu.memory_space<hbm>>)
    %dma_wait3A_404 = arith.constant 6 : i32
    %dma_wait3A_405 = arith.constant 0 : i32
    %dma_wait3A_406 = arith.constant 0 : i32
    %dma_wait3A_407 = tpu.memref_slice %arg7[%dma_wait3A_405, %dma_wait3A_406] : memref<32x384xf32, #tpu.memory_space<vmem>> -> memref<16x384xf32, #tpu.memory_space<vmem>>
    %dma_wait3A_408 = arith.constant 0 : i32
    %dma_wait3A_409 = tpu.memref_slice %arg4[%dma_wait3A_404, %mul3A_143, %dma_wait3A_408] : memref<8x1024x384xf32, #tpu.memory_space<hbm>> -> memref<1x16x384xf32, #tpu.memory_space<hbm>>
    %dma_wait3A_410 = tpu.memref_squeeze %dma_wait3A_409 : memref<1x16x384xf32, #tpu.memory_space<hbm>> -> memref<16x384xf32, #tpu.memory_space<hbm>>
    %dma_wait3A_411 = arith.constant 0 : i32
    %dma_wait3A_412 = tpu.memref_slice %arg4[%dma_wait3A_404, %mul3A_143, %dma_wait3A_411] : memref<8x1024x384xf32, #tpu.memory_space<hbm>> -> memref<1x16x384xf32, #tpu.memory_space<hbm>>
    %dma_wait3A_413 = tpu.memref_squeeze %dma_wait3A_412 : memref<1x16x384xf32, #tpu.memory_space<hbm>> -> memref<16x384xf32, #tpu.memory_space<hbm>>
    %dma_wait3A_414 = arith.constant 0 : i32
    %dma_wait3A_415 = arith.constant 0 : i32
    %dma_wait3A_416 = tpu.memref_slice %arg7[%dma_wait3A_414, %dma_wait3A_415] : memref<32x384xf32, #tpu.memory_space<vmem>> -> memref<16x384xf32, #tpu.memory_space<vmem>>
    tpu.wait_dma2 semaphore(%arg10 : memref<!tpu.dma_semaphore, #tpu.memory_space<semaphore_mem>>) src(%dma_wait3A_416 : memref<16x384xf32, #tpu.memory_space<vmem>>) dst(%dma_wait3A_413 : memref<16x384xf32, #tpu.memory_space<hbm>>)
    %dma_wait3A_417 = arith.constant 7 : i32
    %dma_wait3A_418 = arith.constant 0 : i32
    %dma_wait3A_419 = arith.constant 0 : i32
    %dma_wait3A_420 = tpu.memref_slice %arg7[%dma_wait3A_418, %dma_wait3A_419] : memref<32x384xf32, #tpu.memory_space<vmem>> -> memref<16x384xf32, #tpu.memory_space<vmem>>
    %dma_wait3A_421 = arith.constant 0 : i32
    %dma_wait3A_422 = tpu.memref_slice %arg4[%dma_wait3A_417, %mul3A_158, %dma_wait3A_421] : memref<8x1024x384xf32, #tpu.memory_space<hbm>> -> memref<1x16x384xf32, #tpu.memory_space<hbm>>
    %dma_wait3A_423 = tpu.memref_squeeze %dma_wait3A_422 : memref<1x16x384xf32, #tpu.memory_space<hbm>> -> memref<16x384xf32, #tpu.memory_space<hbm>>
    %dma_wait3A_424 = arith.constant 0 : i32
    %dma_wait3A_425 = tpu.memref_slice %arg4[%dma_wait3A_417, %mul3A_158, %dma_wait3A_424] : memref<8x1024x384xf32, #tpu.memory_space<hbm>> -> memref<1x16x384xf32, #tpu.memory_space<hbm>>
    %dma_wait3A_426 = tpu.memref_squeeze %dma_wait3A_425 : memref<1x16x384xf32, #tpu.memory_space<hbm>> -> memref<16x384xf32, #tpu.memory_space<hbm>>
    %dma_wait3A_427 = arith.constant 0 : i32
    %dma_wait3A_428 = arith.constant 0 : i32
    %dma_wait3A_429 = tpu.memref_slice %arg7[%dma_wait3A_427, %dma_wait3A_428] : memref<32x384xf32, #tpu.memory_space<vmem>> -> memref<16x384xf32, #tpu.memory_space<vmem>>
    tpu.wait_dma2 semaphore(%arg10 : memref<!tpu.dma_semaphore, #tpu.memory_space<semaphore_mem>>) src(%dma_wait3A_429 : memref<16x384xf32, #tpu.memory_space<vmem>>) dst(%dma_wait3A_426 : memref<16x384xf32, #tpu.memory_space<hbm>>)
    %dma_wait3A_430 = arith.constant 0 : i32
    %dma_wait3A_431 = arith.constant 16 : i32
    %dma_wait3A_432 = arith.constant 0 : i32
    %dma_wait3A_433 = tpu.memref_slice %arg7[%dma_wait3A_431, %dma_wait3A_432] : memref<32x384xf32, #tpu.memory_space<vmem>> -> memref<16x384xf32, #tpu.memory_space<vmem>>
    %dma_wait3A_434 = arith.constant 0 : i32
    %dma_wait3A_435 = tpu.memref_slice %arg4[%dma_wait3A_430, %add3A_193, %dma_wait3A_434] : memref<8x1024x384xf32, #tpu.memory_space<hbm>> -> memref<1x16x384xf32, #tpu.memory_space<hbm>>
    %dma_wait3A_436 = tpu.memref_squeeze %dma_wait3A_435 : memref<1x16x384xf32, #tpu.memory_space<hbm>> -> memref<16x384xf32, #tpu.memory_space<hbm>>
    %dma_wait3A_437 = arith.constant 0 : i32
    %dma_wait3A_438 = tpu.memref_slice %arg4[%dma_wait3A_430, %add3A_193, %dma_wait3A_437] : memref<8x1024x384xf32, #tpu.memory_space<hbm>> -> memref<1x16x384xf32, #tpu.memory_space<hbm>>
    %dma_wait3A_439 = tpu.memref_squeeze %dma_wait3A_438 : memref<1x16x384xf32, #tpu.memory_space<hbm>> -> memref<16x384xf32, #tpu.memory_space<hbm>>
    %dma_wait3A_440 = arith.constant 16 : i32
    %dma_wait3A_441 = arith.constant 0 : i32
    %dma_wait3A_442 = tpu.memref_slice %arg7[%dma_wait3A_440, %dma_wait3A_441] : memref<32x384xf32, #tpu.memory_space<vmem>> -> memref<16x384xf32, #tpu.memory_space<vmem>>
    tpu.wait_dma2 semaphore(%arg10 : memref<!tpu.dma_semaphore, #tpu.memory_space<semaphore_mem>>) src(%dma_wait3A_442 : memref<16x384xf32, #tpu.memory_space<vmem>>) dst(%dma_wait3A_439 : memref<16x384xf32, #tpu.memory_space<hbm>>)
    %dma_wait3A_443 = arith.constant 1 : i32
    %dma_wait3A_444 = arith.constant 16 : i32
    %dma_wait3A_445 = arith.constant 0 : i32
    %dma_wait3A_446 = tpu.memref_slice %arg7[%dma_wait3A_444, %dma_wait3A_445] : memref<32x384xf32, #tpu.memory_space<vmem>> -> memref<16x384xf32, #tpu.memory_space<vmem>>
    %dma_wait3A_447 = arith.constant 0 : i32
    %dma_wait3A_448 = tpu.memref_slice %arg4[%dma_wait3A_443, %add3A_210, %dma_wait3A_447] : memref<8x1024x384xf32, #tpu.memory_space<hbm>> -> memref<1x16x384xf32, #tpu.memory_space<hbm>>
    %dma_wait3A_449 = tpu.memref_squeeze %dma_wait3A_448 : memref<1x16x384xf32, #tpu.memory_space<hbm>> -> memref<16x384xf32, #tpu.memory_space<hbm>>
    %dma_wait3A_450 = arith.constant 0 : i32
    %dma_wait3A_451 = tpu.memref_slice %arg4[%dma_wait3A_443, %add3A_210, %dma_wait3A_450] : memref<8x1024x384xf32, #tpu.memory_space<hbm>> -> memref<1x16x384xf32, #tpu.memory_space<hbm>>
    %dma_wait3A_452 = tpu.memref_squeeze %dma_wait3A_451 : memref<1x16x384xf32, #tpu.memory_space<hbm>> -> memref<16x384xf32, #tpu.memory_space<hbm>>
    %dma_wait3A_453 = arith.constant 16 : i32
    %dma_wait3A_454 = arith.constant 0 : i32
    %dma_wait3A_455 = tpu.memref_slice %arg7[%dma_wait3A_453, %dma_wait3A_454] : memref<32x384xf32, #tpu.memory_space<vmem>> -> memref<16x384xf32, #tpu.memory_space<vmem>>
    tpu.wait_dma2 semaphore(%arg10 : memref<!tpu.dma_semaphore, #tpu.memory_space<semaphore_mem>>) src(%dma_wait3A_455 : memref<16x384xf32, #tpu.memory_space<vmem>>) dst(%dma_wait3A_452 : memref<16x384xf32, #tpu.memory_space<hbm>>)
    %dma_wait3A_456 = arith.constant 2 : i32
    %dma_wait3A_457 = arith.constant 16 : i32
    %dma_wait3A_458 = arith.constant 0 : i32
    %dma_wait3A_459 = tpu.memref_slice %arg7[%dma_wait3A_457, %dma_wait3A_458] : memref<32x384xf32, #tpu.memory_space<vmem>> -> memref<16x384xf32, #tpu.memory_space<vmem>>
    %dma_wait3A_460 = arith.constant 0 : i32
    %dma_wait3A_461 = tpu.memref_slice %arg4[%dma_wait3A_456, %add3A_227, %dma_wait3A_460] : memref<8x1024x384xf32, #tpu.memory_space<hbm>> -> memref<1x16x384xf32, #tpu.memory_space<hbm>>
    %dma_wait3A_462 = tpu.memref_squeeze %dma_wait3A_461 : memref<1x16x384xf32, #tpu.memory_space<hbm>> -> memref<16x384xf32, #tpu.memory_space<hbm>>
    %dma_wait3A_463 = arith.constant 0 : i32
    %dma_wait3A_464 = tpu.memref_slice %arg4[%dma_wait3A_456, %add3A_227, %dma_wait3A_463] : memref<8x1024x384xf32, #tpu.memory_space<hbm>> -> memref<1x16x384xf32, #tpu.memory_space<hbm>>
    %dma_wait3A_465 = tpu.memref_squeeze %dma_wait3A_464 : memref<1x16x384xf32, #tpu.memory_space<hbm>> -> memref<16x384xf32, #tpu.memory_space<hbm>>
    %dma_wait3A_466 = arith.constant 16 : i32
    %dma_wait3A_467 = arith.constant 0 : i32
    %dma_wait3A_468 = tpu.memref_slice %arg7[%dma_wait3A_466, %dma_wait3A_467] : memref<32x384xf32, #tpu.memory_space<vmem>> -> memref<16x384xf32, #tpu.memory_space<vmem>>
    tpu.wait_dma2 semaphore(%arg10 : memref<!tpu.dma_semaphore, #tpu.memory_space<semaphore_mem>>) src(%dma_wait3A_468 : memref<16x384xf32, #tpu.memory_space<vmem>>) dst(%dma_wait3A_465 : memref<16x384xf32, #tpu.memory_space<hbm>>)
    %dma_wait3A_469 = arith.constant 3 : i32
    %dma_wait3A_470 = arith.constant 16 : i32
    %dma_wait3A_471 = arith.constant 0 : i32
    %dma_wait3A_472 = tpu.memref_slice %arg7[%dma_wait3A_470, %dma_wait3A_471] : memref<32x384xf32, #tpu.memory_space<vmem>> -> memref<16x384xf32, #tpu.memory_space<vmem>>
    %dma_wait3A_473 = arith.constant 0 : i32
    %dma_wait3A_474 = tpu.memref_slice %arg4[%dma_wait3A_469, %add3A_244, %dma_wait3A_473] : memref<8x1024x384xf32, #tpu.memory_space<hbm>> -> memref<1x16x384xf32, #tpu.memory_space<hbm>>
    %dma_wait3A_475 = tpu.memref_squeeze %dma_wait3A_474 : memref<1x16x384xf32, #tpu.memory_space<hbm>> -> memref<16x384xf32, #tpu.memory_space<hbm>>
    %dma_wait3A_476 = arith.constant 0 : i32
    %dma_wait3A_477 = tpu.memref_slice %arg4[%dma_wait3A_469, %add3A_244, %dma_wait3A_476] : memref<8x1024x384xf32, #tpu.memory_space<hbm>> -> memref<1x16x384xf32, #tpu.memory_space<hbm>>
    %dma_wait3A_478 = tpu.memref_squeeze %dma_wait3A_477 : memref<1x16x384xf32, #tpu.memory_space<hbm>> -> memref<16x384xf32, #tpu.memory_space<hbm>>
    %dma_wait3A_479 = arith.constant 16 : i32
    %dma_wait3A_480 = arith.constant 0 : i32
    %dma_wait3A_481 = tpu.memref_slice %arg7[%dma_wait3A_479, %dma_wait3A_480] : memref<32x384xf32, #tpu.memory_space<vmem>> -> memref<16x384xf32, #tpu.memory_space<vmem>>
    tpu.wait_dma2 semaphore(%arg10 : memref<!tpu.dma_semaphore, #tpu.memory_space<semaphore_mem>>) src(%dma_wait3A_481 : memref<16x384xf32, #tpu.memory_space<vmem>>) dst(%dma_wait3A_478 : memref<16x384xf32, #tpu.memory_space<hbm>>)
    %dma_wait3A_482 = arith.constant 4 : i32
    %dma_wait3A_483 = arith.constant 16 : i32
    %dma_wait3A_484 = arith.constant 0 : i32
    %dma_wait3A_485 = tpu.memref_slice %arg7[%dma_wait3A_483, %dma_wait3A_484] : memref<32x384xf32, #tpu.memory_space<vmem>> -> memref<16x384xf32, #tpu.memory_space<vmem>>
    %dma_wait3A_486 = arith.constant 0 : i32
    %dma_wait3A_487 = tpu.memref_slice %arg4[%dma_wait3A_482, %add3A_261, %dma_wait3A_486] : memref<8x1024x384xf32, #tpu.memory_space<hbm>> -> memref<1x16x384xf32, #tpu.memory_space<hbm>>
    %dma_wait3A_488 = tpu.memref_squeeze %dma_wait3A_487 : memref<1x16x384xf32, #tpu.memory_space<hbm>> -> memref<16x384xf32, #tpu.memory_space<hbm>>
    %dma_wait3A_489 = arith.constant 0 : i32
    %dma_wait3A_490 = tpu.memref_slice %arg4[%dma_wait3A_482, %add3A_261, %dma_wait3A_489] : memref<8x1024x384xf32, #tpu.memory_space<hbm>> -> memref<1x16x384xf32, #tpu.memory_space<hbm>>
    %dma_wait3A_491 = tpu.memref_squeeze %dma_wait3A_490 : memref<1x16x384xf32, #tpu.memory_space<hbm>> -> memref<16x384xf32, #tpu.memory_space<hbm>>
    %dma_wait3A_492 = arith.constant 16 : i32
    %dma_wait3A_493 = arith.constant 0 : i32
    %dma_wait3A_494 = tpu.memref_slice %arg7[%dma_wait3A_492, %dma_wait3A_493] : memref<32x384xf32, #tpu.memory_space<vmem>> -> memref<16x384xf32, #tpu.memory_space<vmem>>
    tpu.wait_dma2 semaphore(%arg10 : memref<!tpu.dma_semaphore, #tpu.memory_space<semaphore_mem>>) src(%dma_wait3A_494 : memref<16x384xf32, #tpu.memory_space<vmem>>) dst(%dma_wait3A_491 : memref<16x384xf32, #tpu.memory_space<hbm>>)
    %dma_wait3A_495 = arith.constant 5 : i32
    %dma_wait3A_496 = arith.constant 16 : i32
    %dma_wait3A_497 = arith.constant 0 : i32
    %dma_wait3A_498 = tpu.memref_slice %arg7[%dma_wait3A_496, %dma_wait3A_497] : memref<32x384xf32, #tpu.memory_space<vmem>> -> memref<16x384xf32, #tpu.memory_space<vmem>>
    %dma_wait3A_499 = arith.constant 0 : i32
    %dma_wait3A_500 = tpu.memref_slice %arg4[%dma_wait3A_495, %add3A_278, %dma_wait3A_499] : memref<8x1024x384xf32, #tpu.memory_space<hbm>> -> memref<1x16x384xf32, #tpu.memory_space<hbm>>
    %dma_wait3A_501 = tpu.memref_squeeze %dma_wait3A_500 : memref<1x16x384xf32, #tpu.memory_space<hbm>> -> memref<16x384xf32, #tpu.memory_space<hbm>>
    %dma_wait3A_502 = arith.constant 0 : i32
    %dma_wait3A_503 = tpu.memref_slice %arg4[%dma_wait3A_495, %add3A_278, %dma_wait3A_502] : memref<8x1024x384xf32, #tpu.memory_space<hbm>> -> memref<1x16x384xf32, #tpu.memory_space<hbm>>
    %dma_wait3A_504 = tpu.memref_squeeze %dma_wait3A_503 : memref<1x16x384xf32, #tpu.memory_space<hbm>> -> memref<16x384xf32, #tpu.memory_space<hbm>>
    %dma_wait3A_505 = arith.constant 16 : i32
    %dma_wait3A_506 = arith.constant 0 : i32
    %dma_wait3A_507 = tpu.memref_slice %arg7[%dma_wait3A_505, %dma_wait3A_506] : memref<32x384xf32, #tpu.memory_space<vmem>> -> memref<16x384xf32, #tpu.memory_space<vmem>>
    tpu.wait_dma2 semaphore(%arg10 : memref<!tpu.dma_semaphore, #tpu.memory_space<semaphore_mem>>) src(%dma_wait3A_507 : memref<16x384xf32, #tpu.memory_space<vmem>>) dst(%dma_wait3A_504 : memref<16x384xf32, #tpu.memory_space<hbm>>)
    %dma_wait3A_508 = arith.constant 6 : i32
    %dma_wait3A_509 = arith.constant 16 : i32
    %dma_wait3A_510 = arith.constant 0 : i32
    %dma_wait3A_511 = tpu.memref_slice %arg7[%dma_wait3A_509, %dma_wait3A_510] : memref<32x384xf32, #tpu.memory_space<vmem>> -> memref<16x384xf32, #tpu.memory_space<vmem>>
    %dma_wait3A_512 = arith.constant 0 : i32
    %dma_wait3A_513 = tpu.memref_slice %arg4[%dma_wait3A_508, %add3A_295, %dma_wait3A_512] : memref<8x1024x384xf32, #tpu.memory_space<hbm>> -> memref<1x16x384xf32, #tpu.memory_space<hbm>>
    %dma_wait3A_514 = tpu.memref_squeeze %dma_wait3A_513 : memref<1x16x384xf32, #tpu.memory_space<hbm>> -> memref<16x384xf32, #tpu.memory_space<hbm>>
    %dma_wait3A_515 = arith.constant 0 : i32
    %dma_wait3A_516 = tpu.memref_slice %arg4[%dma_wait3A_508, %add3A_295, %dma_wait3A_515] : memref<8x1024x384xf32, #tpu.memory_space<hbm>> -> memref<1x16x384xf32, #tpu.memory_space<hbm>>
    %dma_wait3A_517 = tpu.memref_squeeze %dma_wait3A_516 : memref<1x16x384xf32, #tpu.memory_space<hbm>> -> memref<16x384xf32, #tpu.memory_space<hbm>>
    %dma_wait3A_518 = arith.constant 16 : i32
    %dma_wait3A_519 = arith.constant 0 : i32
    %dma_wait3A_520 = tpu.memref_slice %arg7[%dma_wait3A_518, %dma_wait3A_519] : memref<32x384xf32, #tpu.memory_space<vmem>> -> memref<16x384xf32, #tpu.memory_space<vmem>>
    tpu.wait_dma2 semaphore(%arg10 : memref<!tpu.dma_semaphore, #tpu.memory_space<semaphore_mem>>) src(%dma_wait3A_520 : memref<16x384xf32, #tpu.memory_space<vmem>>) dst(%dma_wait3A_517 : memref<16x384xf32, #tpu.memory_space<hbm>>)
    %dma_wait3A_521 = arith.constant 7 : i32
    %dma_wait3A_522 = arith.constant 16 : i32
    %dma_wait3A_523 = arith.constant 0 : i32
    %dma_wait3A_524 = tpu.memref_slice %arg7[%dma_wait3A_522, %dma_wait3A_523] : memref<32x384xf32, #tpu.memory_space<vmem>> -> memref<16x384xf32, #tpu.memory_space<vmem>>
    %dma_wait3A_525 = arith.constant 0 : i32
    %dma_wait3A_526 = tpu.memref_slice %arg4[%dma_wait3A_521, %add3A_312, %dma_wait3A_525] : memref<8x1024x384xf32, #tpu.memory_space<hbm>> -> memref<1x16x384xf32, #tpu.memory_space<hbm>>
    %dma_wait3A_527 = tpu.memref_squeeze %dma_wait3A_526 : memref<1x16x384xf32, #tpu.memory_space<hbm>> -> memref<16x384xf32, #tpu.memory_space<hbm>>
    %dma_wait3A_528 = arith.constant 0 : i32
    %dma_wait3A_529 = tpu.memref_slice %arg4[%dma_wait3A_521, %add3A_312, %dma_wait3A_528] : memref<8x1024x384xf32, #tpu.memory_space<hbm>> -> memref<1x16x384xf32, #tpu.memory_space<hbm>>
    %dma_wait3A_530 = tpu.memref_squeeze %dma_wait3A_529 : memref<1x16x384xf32, #tpu.memory_space<hbm>> -> memref<16x384xf32, #tpu.memory_space<hbm>>
    %dma_wait3A_531 = arith.constant 16 : i32
    %dma_wait3A_532 = arith.constant 0 : i32
    %dma_wait3A_533 = tpu.memref_slice %arg7[%dma_wait3A_531, %dma_wait3A_532] : memref<32x384xf32, #tpu.memory_space<vmem>> -> memref<16x384xf32, #tpu.memory_space<vmem>>
    tpu.wait_dma2 semaphore(%arg10 : memref<!tpu.dma_semaphore, #tpu.memory_space<semaphore_mem>>) src(%dma_wait3A_533 : memref<16x384xf32, #tpu.memory_space<vmem>>) dst(%dma_wait3A_530 : memref<16x384xf32, #tpu.memory_space<hbm>>)
    return
  }
}

</mosaic_0001>

<sc_bundles>
// kernel: _position_embedding.3.cloned.1.call-start
scs
__scs_entry_jumppad:
0x0: {  	(pc) =	sbr.rel $0x88, $3  }
0x1: {  	(tag) =	ssettag $0x0;
	lr =	simm.s32 $0x1  }
0x2: {  	[smem:$0x3F9F] =	sst lr;
	_ =	strace $0xD0000000  }
0x3: {  	_ = 	snop  }
0x4: {  	_ = 	snop  }
0x5: {  	_ = 	snop  }
0x6: {  	_ = 	snop  }
0x7: {  	_ = 	snop  }
__scs_overlays_trampoline_lowered:
0x8: {  	[smem:$0x3FAE] =	sst s0  }
0x9: {  	[smem:$0x3FAF] =	sst s1  }
0xa: {  	[smem:$0x3FB0] =	sst s2  }
0xb: {  	[smem:$0x3FB1] =	sst s3  }
0xc: {  	[smem:$0x3FB2] =	sst s4  }
0xd: {  	[smem:$0x3FB3] =	sst s5  }
0xe: {  	[smem:$0x3FB4] =	sst s6  }
0xf: {  	[smem:$0x3FB5] =	sst s7  }
0x10: {  	[smem:$0x3FB6] =	sst s8  }
0x11: {  	[smem:$0x3FB7] =	sst s9;
	s0 =	simm.s32 @!p0 $0x0  }
0x12: {  	s1 =	sld [smem:$0x3F9D];
	s0 =	simm.s32 @p0 $0x1  }
0x13: {  	[smem:$0x3FB8] =	sst s0;
	s0 =	simm.s32 @!p1 $0x0  }
0x14: {  	s2 =	sld [smem:$0x3F9C];
	s0 =	simm.s32 @p1 $0x1  }
0x15: {  	[smem:$0x3FB9] =	sst s0;
	s0 =	simm.s32 @!p2 $0x0  }
0x16: {  	s3 =	sld [smem:$0x3FDB];
	s0 =	simm.s32 @p2 $0x1  }
0x17: {  	s4 =	simm.s32 $0x1BF5;
	[smem:$0x3FBB] =	sst s0  }
0x18: {  	s0 =	sld [smem:$0x3F9E];
	_ =	swait.ge [sflag:s4], $0x0  }
0x19: {  	s7 =	sld [smem:$0x3F9F]  }
0x1a: {  	s8 =	sadd.s32 $0xFFFFE003, lr  }
0x1b: {  	s9 =	sadd.s32 $0xFFFFFEF7, lr;
	s5 =	simm.s32 $0xFFFFFFFF;
	p2 =	slt.u32 s8, $0xFFFFF086  }
0x1c: {  	p1 =	slt.u32 s9, $0xF7A;
	s5 =	simm.s32 @!p2 $0x0  }
0x1d: {  	s5 =	simm.s32 @p1 $0x1;
	p0 =	seq.s32 s7, s2  }
0x1e: {  	s7 =	smul.u32 @!p0 $0xF7A, s2;
	p2 =	seq.s32 @!p0 s5, $0x0  }
0x1f: {  	s9 =	smul.u32 $0xF7A, s1;
	s8 =	simm.s32 @!p0 $0x1BF5;
	p2 =	por !p2, p0  }
0x20: {  	[sflag:s8] =	ssyncset.s32 @!p0 $0xFFFFF086;
	s6 =	sadd.s32 @!p0 s3, s7;
	s7 =	simm.s32 @!p0 $0x108  }
0x21: {  	s3 =	sadd.s32 s3, s9;
	s6 =	sadd.s32 @!p0 $0x88, s6;
	s7 =	simm.s32 @p2 $0x1082  }
0x22: {  	[simem:s7], [sflag:s8] =	dma.local @!p0 [hbm:s6], $0xF7A  }
0x23: {  	s9 =	sor.u32 $0xD0000000, s2;
	s6 =	simm.s32 $0x108;
	_ =	swait.ge @!p0 [sflag:s8], $0x0  }
0x24: {  	s3 =	sadd.s32 $0x88, s3;
	s6 =	simm.s32 @!p1 $0x1082;
	[sflag:s4] =	ssyncset.s32 $0xFFFFF086  }
0x25: {  	[simem:s6], [sflag:s4] =	dma.local [hbm:s3], $0xF7A  }
0x26: {  	[smem:$0x3F9F] =	sst s1;
	(tag) =	ssettag s2;
	_ =	strace s9  }
0x27: {  	s1 =	sld [smem:$0x3FAF]  }
0x28: {  	s2 =	sld [smem:$0x3FB0]  }
0x29: {  	s4 =	sld [smem:$0x3FB2]  }
0x2a: {  	p0 =	seq.s32 s5, $0x0;
	s5 =	sld [smem:$0x3FB3]  }
0x2b: {  	s6 =	sld [smem:$0x3FB4]  }
0x2c: {  	s7 =	sld [smem:$0x3FB5]  }
0x2d: {  	s3 =	simm.s32 $0x108;
	s8 =	sld [smem:$0x3FB6]  }
0x2e: {  	s3 =	simm.s32 @!p0 $0x1082;
	s9 =	sld [smem:$0x3FB7]  }
0x2f: {  	lr =	sadd.s32 s0, s3;
	s0 =	sld [smem:$0x3FAE]  }
0x30: {  	s3 =	sld [smem:$0x3FB1]  }
0x31: {  	[smem:$0x3FBA] =	sst s10  }
0x32: {  	s10 =	sld [smem:$0x3FB8];
	_ =	sdelay $0x3  }
0x33: {  	p0 =	seq.s32 s10, $0x1;
	s10 =	sld [smem:$0x3FBA];
	_ =	sdelay $0x3  }
0x34: {  	[smem:$0x3FBA] =	sst s10  }
0x35: {  	s10 =	sld [smem:$0x3FB9];
	_ =	sdelay $0x3  }
0x36: {  	p1 =	seq.s32 s10, $0x1;
	s10 =	sld [smem:$0x3FBA];
	_ =	sdelay $0x3  }
0x37: {  	[smem:$0x3FBA] =	sst s10  }
0x38: {  	s10 =	sld [smem:$0x3FBB]  }
0x39: {  	_ = 	snop;
	(pc) =	sbr.ind lr, $3  }
0x3a: {  	_ = 	snop  }
0x3b: {  	_ = 	snop  }
0x3c: {  	p2 =	seq.s32 s10, $0x1;
	s10 =	sld [smem:$0x3FBA]  }
0x3d: {  	_ =	shalt  }
0x3e: {  	_ =	shalt  }
0x3f: {  	_ =	shalt  }
0x40: {  	_ =	shalt  }
0x41: {  	_ =	shalt  }
0x42: {  	_ =	shalt  }
0x43: {  	_ =	shalt  }
0x44: {  	_ =	shalt  }
0x45: {  	_ =	shalt  }
0x46: {  	_ =	shalt  }
0x47: {  	_ =	shalt  }
0x48: {  	_ =	shalt  }
0x49: {  	_ =	shalt  }
0x4a: {  	_ =	shalt  }
0x4b: {  	_ =	shalt  }
0x4c: {  	_ =	shalt  }
0x4d: {  	_ =	shalt  }
0x4e: {  	_ =	shalt  }
0x4f: {  	_ =	shalt  }
0x50: {  	_ =	shalt  }
0x51: {  	_ =	shalt  }
0x52: {  	_ =	shalt  }
0x53: {  	_ =	shalt  }
0x54: {  	_ =	shalt  }
0x55: {  	_ =	shalt  }
0x56: {  	_ =	shalt  }
0x57: {  	_ =	shalt  }
0x58: {  	_ =	shalt  }
0x59: {  	_ =	shalt  }
0x5a: {  	_ =	shalt  }
0x5b: {  	_ =	shalt  }
0x5c: {  	_ =	shalt  }
0x5d: {  	_ =	shalt  }
0x5e: {  	_ =	shalt  }
0x5f: {  	_ =	shalt  }
0x60: {  	_ =	shalt  }
0x61: {  	_ =	shalt  }
0x62: {  	_ =	shalt  }
0x63: {  	_ =	shalt  }
0x64: {  	_ =	shalt  }
0x65: {  	_ =	shalt  }
0x66: {  	_ =	shalt  }
0x67: {  	_ =	shalt  }
0x68: {  	_ =	shalt  }
0x69: {  	_ =	shalt  }
0x6a: {  	_ =	shalt  }
0x6b: {  	_ =	shalt  }
0x6c: {  	_ =	shalt  }
0x6d: {  	_ =	shalt  }
0x6e: {  	_ =	shalt  }
0x6f: {  	_ =	shalt  }
0x70: {  	_ =	shalt  }
0x71: {  	_ =	shalt  }
0x72: {  	_ =	shalt  }
0x73: {  	_ =	shalt  }
0x74: {  	_ =	shalt  }
0x75: {  	_ =	shalt  }
0x76: {  	_ =	shalt  }
0x77: {  	_ =	shalt  }
0x78: {  	_ =	shalt  }
0x79: {  	_ =	shalt  }
0x7a: {  	_ =	shalt  }
0x7b: {  	_ =	shalt  }
0x7c: {  	_ =	shalt  }
0x7d: {  	_ =	shalt  }
0x7e: {  	_ =	shalt  }
0x7f: {  	_ =	shalt  }
0x80: {  	_ =	shalt  }
0x81: {  	_ =	shalt  }
0x82: {  	_ =	shalt  }
0x83: {  	_ =	shalt  }
0x84: {  	_ =	shalt  }
0x85: {  	_ =	shalt  }
0x86: {  	_ =	shalt  }
0x87: {  	_ =	shalt  }
.Lfunc_end0:
.L_simem_size_0:
called_computation_lowered:
.L_overlay_start_0:
0x88: {  	s2 =	sld [smem:$0x3FD9]  }
0x89: {  	s3 =	sld [smem:$0x3FFE];
	_ =	sdelay $0x1  }
0x8a: {  	s1 =	srdreg.scid  }
0x8b: {  	s0 =	sand.u32 $0x1, s1  }
0x8c: {  	s18 =	sshll.u32 s0, $0xA;
	s2 =	sadd.s32 s3, s2  }
0x8d: {  	s2 =	sadd.s32 s2, s18  }
0x8e: {  	[smem:$0x3FC6] =	sst s2  }
0x8f: {  	_ = 	snop  }
0x90: {  	s2 =	sld [smem:$0x3FC9]  }
0x91: {  	s19 =	sld [smem:$0x3FC8]  }
0x92: {  	s4 =	sld [smem:$0x3FD0];
	(tm) =	ssettm $0x1  }
0x93: {  	s5 =	sld [smem:$0x3FFB];
	_ =	sdelay $0x3  }
0x94: {  	_ =	strace s5  }
0x95: {  	s5 =	sld [smem:$0x3FFC];
	_ =	sdelay $0x3  }
0x96: {  	_ =	strace s5  }
0x97: {  	s5 =	sld [smem:$0x3FFD];
	_ =	sdelay $0x3  }
0x98: {  	_ =	strace s5  }
0x99: {  	_ =	strace $0x8FFFFFFF  }
0x9a: {  	s20 =	sld [smem:$0x3FDB];
	_ =	sdelay $0x1  }
0x9b: {  	s6 =	simm.s32 $_scs_section_size  }
0x9c: {  	s7 =	simm.s32 $_size__tile_overlayer_lowered;
	s8 =	simm.s32 $_tile_overlayer_lowered  }
0x9d: {  	s23 =	simm.s32 $0x1BFF;
	s22 =	sshll.u32 s8, $0x1;
	s5 =	sadd.s32 s6, s20  }
0x9e: {  	s9 =	simm.s32 $0x0;
	s21 =	sshll.u32 s7, $0x1;
	s7 =	sadd.s32 s22, s5  }
0x9f: {  	[timem:s9], [sflag:s23] =	dma.local [hbm:s7], s21  }
0xa0: {  	_ =	swait.ge [sflag:s23], s21  }
0xa1: {  	s6 =	ssub.s32 $0x0, s21;
	[sflag:s23] =	ssyncset.done $0x0  }
0xa2: {  	[sflag:s23] =	ssyncadd.s32 s6;
	_ =	sdelay $0x1  }
0xa3: {  	s24 =	simm.s32 $0x1B8B  }
0xa4: {  	_ =	swait.ge [sflag:s24], $0x1  }
0xa5: {  	[sflag:s24] =	ssyncset.done $0x0  }
0xa6: {  	s25 =	simm.s32 $0x1B8E;
	[sflag:s24] =	ssyncadd.s32 $0xFFFFFFFF  }
0xa7: {  	s26 =	simm.s32 $execute0_lowered;
	[smem:$0x3FD2] =	sst s25  }
0xa8: {  	s6 =	sshll.u32 s26, $0x1;
	_ =	strace $0x80000046;
	[dreg:$0x1] =	wrdreg $0xFFFFFFFF  }
0xa9: {  	s28 =	simm.s32 $_size_execute0_lowered;
	s5 =	sadd.s32 s5, s6;
	[dreg:$0x0] =	wrdreg $0x0  }
0xaa: {  	s6 =	sshll.u32 s28, $0x1;
	[dreg:$0x2] =	wrdreg s5  }
0xab: {  	[dreg:$0x3] =	wrdreg s6  }
0xac: {  	[dreg:$0x4] =	wrdreg $0xC0  }
0xad: {  	_ =	task [dreg:s9], $0x5FFFF  }
0xae: {  	[dreg:$0x1] =	wrdreg $0xFFFFFFFF  }
0xaf: {  	[dreg:$0x0] =	wrdreg $0x60  }
0xb0: {  	[dreg:$0x2] =	wrdreg s2  }
0xb1: {  	[dreg:$0x3] =	wrdreg s19  }
0xb2: {  	[dreg:$0x4] =	wrdreg s4  }
0xb3: {  	[dreg:$0x5] =	wrdreg $0x9  }
0xb4: {  	_ =	task.clear_ibuf [dreg:s9], $0x6FFFF;
	_ =	strace $0x90000046  }
0xb5: {  	s29 =	simm.s32 $0x9;
	_ =	strace $0x80000048  }
0xb6: {  	_ =	swait.ge [sflag:s29], $0x1  }
0xb7: {  	[sflag:s29] =	ssyncadd.s32 $0xFFFFFFFF  }
0xb8: {  	_ =	strace $0x90000048  }
0xb9: {  	_ =	sfence  }
0xba: {  	s30 =	sld [smem:$0x0];
	_ =	sdelay $0x2  }
0xbb: {  	s31 =	sshll.u32 s1, $0xD;
	s1 =	sshrl.u32 s1, $0x2  }
0xbc: {  	s3 =	sand.u32 $0x4000, s31;
	s1 =	sadd.s32 s1, s30  }
0xbd: {  	s0 =	sor.u32 s3, s0;
	s1 =	sshll.u32 s1, $0x11  }
0xbe: {  	s0 =	sor.u32 s1, s0  }
0xbf: {  	s0 =	sadd.s32 $0x8F2B, s0  }
0xc0: {  	[sflag:s0] =	ssyncadd.remote.s32 $0x1  }
0xc1: {  	_ =	sfence.sel $0xFFFF  }
0xc2: {  	[dreg:$0x0] =	wrdreg $0xFFFFFFFF;
	(pc) =	sbr.abs _section_cstart, $3  }
0xc3: {  	[dreg:$0x1] =	wrdreg $0xFFFFFFFF  }
0xc4: {  	_ =	task.clear_ibuf [dreg:s9], $0x2FFFF;
	_ =	strace $0x9FFFFFFF  }
0xc5: {  	(tm) =	ssettm $0x7FFFFFFF  }
tec
execute0_lowered:
.L_overlay_start_1:
0x0: {  	(tag) =	ssettag $0x1  }
0x1: {  	s0 =	rddreg [dreg:$0x0]  }
0x2: {  	s8 =	rddreg [dreg:$0x1];
	s1 =	srdreg.scid  }
0x3: {  	s5 =	stileid.u32;
	s2 =	rddreg [dreg:$0x2]  }
0x4: {  	s28 =	simm.s32 $0x1;
	s29 =	simm.s32 $0x3180;
	s30 =	simm.s32 $0x2  }
0x5: {  	s31 =	simm.s32 $0x4980;
	s1 =	sand.u32 $0x1, s1;
	s3 =	sshll.u32 s5, $0x1  }
0x6: {  	s5 =	sshrl.u32 s5, $0x2;
	s4 =	sor.u32 s1, s3;
	s3 =	simm.s32 $0x0  }
0x7: {  	s5 =	smul.u32 $0xC00, s5;
	s1 =	ssub.s32 $0x2, s1;
	s6 =	sshll.u32 s4, $0x7  }
0x8: {  	[smem:$0x7FF] =	sst s3;
	s4 =	smul.u32 $0x3000, s4;
	s26 =	sshrl.u32 s1, $0x1  }
0x9: {  	s6 =	sand.u32 $0x380, s6;
	_ =	strace $0x80000047;
	s1 =	ssub.s32 s1, s26  }
0xa: {  	s5 =	sor.u32 s5, s6;
	s7 =	sshrl.u32 s4, $0x3;
	s6 =	sadd.s32 $0x300, s8  }
0xb: {  	s22 =	smax.u32 s1, $0x1;
	s1 =	simm.s32 $0x3;
	s5 =	sshrl.u32 s5, $0x3  }
0xc: {  	s4 =	sadd.s32 s0, s5;
	s5 =	sadd.s32 s2, s7;
	s0 =	simm.s32 $0x0  }
0xd: {  	s7 =	sadd.s32 $0xC000, s5;
	s8 =	sadd.s32 $0x18000, s5;
	s9 =	sadd.s32 $0x24000, s5  }
0xe: {  	s10 =	sadd.s32 $0x30000, s5;
	s11 =	sadd.s32 $0x3C000, s5;
	s12 =	sadd.s32 $0x48000, s5  }
0xf: {  	s13 =	sadd.s32 $0x54000, s5;
	s14 =	sadd.s32 $0x300, s5;
	s15 =	sadd.s32 $0xC300, s5  }
0x10: {  	s16 =	sadd.s32 $0x18300, s5;
	s17 =	sadd.s32 $0x24300, s5;
	s18 =	sadd.s32 $0x30300, s5  }
0x11: {  	s19 =	sadd.s32 $0x3C300, s5;
	s20 =	sadd.s32 $0x48300, s5;
	s21 =	sadd.s32 $0x54300, s5  }
.LBB2_1:
0x12: {  	s2 =	simm.s32 $0x80;
	s23 =	simm.s32 $0x400  }
0x13: {  	[tilespmem:s3], [sflag:$0x1] =	stream.strided.gather [hbm4b:s4+s2], $0x180, s23, s2, $0x38;
	[tilespmem:$0x6180] =	vst v63  }
0x14: {  	s25 =	rddreg [dreg:$0x1];
	s26 =	simm.s32 $0x180  }
0x15: {  	[tilespmem:s26], [sflag:$0x1] =	stream.linear.gather [hbm4b:s25+s3], $0x1800, $0x38;
	[tilespmem:$0x6180] =	vst v63  }
0x16: {  	s23 =	simm.s32 $0x1980  }
0x17: {  	[tilespmem:s23], [sflag:$0x2] =	stream.linear.gather [hbm4b:s6+s3], $0x1800, $0x38;
	[tilespmem:$0x6180] =	vst v63  }
0x18: {  	_ =	swait.ge [sflag:s28], $0x180  }
0x19: {  	[sflag:s28] =	ssyncset.done $0x0  }
0x1a: {  	s24 =	simm.s32 $0x0;
	[sflag:s28] =	ssyncadd.s32 $0xFFFFFE80  }
0x1b: {  	s2 =	smul.u32 $0xC00, s24;
	_ =	swait.ge [sflag:s28], $0x1800  }
0x1c: {  	s25 =	sand.u32 $0x380, s3;
	[sflag:s28] =	ssyncset.done $0x0  }
0x1d: {  	s2 =	sor.u32 s25, s2;
	[sflag:s28] =	ssyncadd.s32 $0xFFFFE800  }
0x1e: {  	v0 =	vld [tilespmem:s2+$0x180]  }
0x1f: {  	v1 =	vld [tilespmem:$0x0];
	_ =	sdelay $0x4  }
0x20: {  	v0 =	vmul.f32 v0, v1;
	_ =	sdelay $0x1  }
0x21: {  	[tilespmem:s2+$0x3180] =	vst v0;
	v0 =	vld [tilespmem:s2+$0x190]  }
0x22: {  	v1 =	vld [tilespmem:$0x10];
	_ =	sdelay $0x4  }
0x23: {  	v0 =	vmul.f32 v0, v1;
	_ =	sdelay $0x1  }
0x24: {  	[tilespmem:s2+$0x3190] =	vst v0;
	v0 =	vld [tilespmem:s2+$0x1A0]  }
0x25: {  	v1 =	vld [tilespmem:$0x20];
	_ =	sdelay $0x4  }
0x26: {  	v0 =	vmul.f32 v0, v1;
	_ =	sdelay $0x1  }
0x27: {  	[tilespmem:s2+$0x31A0] =	vst v0;
	v0 =	vld [tilespmem:s2+$0x1B0]  }
0x28: {  	v1 =	vld [tilespmem:$0x30];
	_ =	sdelay $0x4  }
0x29: {  	v0 =	vmul.f32 v0, v1;
	_ =	sdelay $0x1  }
0x2a: {  	[tilespmem:s2+$0x31B0] =	vst v0;
	v0 =	vld [tilespmem:s2+$0x1C0]  }
0x2b: {  	v1 =	vld [tilespmem:$0x40];
	_ =	sdelay $0x4  }
0x2c: {  	v0 =	vmul.f32 v0, v1;
	_ =	sdelay $0x1  }
0x2d: {  	[tilespmem:s2+$0x31C0] =	vst v0;
	v0 =	vld [tilespmem:s2+$0x1D0]  }
0x2e: {  	v1 =	vld [tilespmem:$0x50];
	_ =	sdelay $0x4  }
0x2f: {  	v0 =	vmul.f32 v0, v1;
	_ =	sdelay $0x1  }
0x30: {  	[tilespmem:s2+$0x31D0] =	vst v0;
	v0 =	vld [tilespmem:s2+$0x1E0]  }
0x31: {  	v1 =	vld [tilespmem:$0x60];
	_ =	sdelay $0x4  }
0x32: {  	v0 =	vmul.f32 v0, v1;
	_ =	sdelay $0x1  }
0x33: {  	[tilespmem:s2+$0x31E0] =	vst v0;
	v0 =	vld [tilespmem:s2+$0x1F0]  }
0x34: {  	v1 =	vld [tilespmem:$0x70];
	_ =	sdelay $0x4  }
0x35: {  	v0 =	vmul.f32 v0, v1;
	_ =	sdelay $0x1  }
0x36: {  	[tilespmem:s2+$0x31F0] =	vst v0;
	v0 =	vld [tilespmem:s2+$0x580]  }
0x37: {  	v1 =	vld [tilespmem:$0x80];
	_ =	sdelay $0x4  }
0x38: {  	v0 =	vmul.f32 v0, v1;
	_ =	sdelay $0x1  }
0x39: {  	[tilespmem:s2+$0x3580] =	vst v0;
	v0 =	vld [tilespmem:s2+$0x590]  }
0x3a: {  	v1 =	vld [tilespmem:$0x90];
	_ =	sdelay $0x4  }
0x3b: {  	v0 =	vmul.f32 v0, v1;
	_ =	sdelay $0x1  }
0x3c: {  	[tilespmem:s2+$0x3590] =	vst v0;
	v0 =	vld [tilespmem:s2+$0x5A0]  }
0x3d: {  	v1 =	vld [tilespmem:$0xA0];
	_ =	sdelay $0x4  }
0x3e: {  	v0 =	vmul.f32 v0, v1;
	_ =	sdelay $0x1  }
0x3f: {  	[tilespmem:s2+$0x35A0] =	vst v0;
	v0 =	vld [tilespmem:s2+$0x5B0]  }
0x40: {  	v1 =	vld [tilespmem:$0xB0];
	_ =	sdelay $0x4  }
0x41: {  	v0 =	vmul.f32 v0, v1;
	_ =	sdelay $0x1  }
0x42: {  	[tilespmem:s2+$0x35B0] =	vst v0;
	v0 =	vld [tilespmem:s2+$0x5C0]  }
0x43: {  	v1 =	vld [tilespmem:$0xC0];
	_ =	sdelay $0x4  }
0x44: {  	v0 =	vmul.f32 v0, v1;
	_ =	sdelay $0x1  }
0x45: {  	[tilespmem:s2+$0x35C0] =	vst v0;
	v0 =	vld [tilespmem:s2+$0x5D0]  }
0x46: {  	v1 =	vld [tilespmem:$0xD0];
	_ =	sdelay $0x4  }
0x47: {  	v0 =	vmul.f32 v0, v1;
	_ =	sdelay $0x1  }
0x48: {  	[tilespmem:s2+$0x35D0] =	vst v0;
	v0 =	vld [tilespmem:s2+$0x5E0]  }
0x49: {  	v1 =	vld [tilespmem:$0xE0];
	_ =	sdelay $0x4  }
0x4a: {  	v0 =	vmul.f32 v0, v1;
	_ =	sdelay $0x1  }
0x4b: {  	[tilespmem:s2+$0x35E0] =	vst v0;
	v0 =	vld [tilespmem:s2+$0x5F0]  }
0x4c: {  	v1 =	vld [tilespmem:$0xF0];
	_ =	sdelay $0x4  }
0x4d: {  	v0 =	vmul.f32 v0, v1;
	_ =	sdelay $0x1  }
0x4e: {  	[tilespmem:s2+$0x35F0] =	vst v0;
	v0 =	vld [tilespmem:s2+$0x980]  }
0x4f: {  	v1 =	vld [tilespmem:$0x100];
	_ =	sdelay $0x4  }
0x50: {  	v0 =	vmul.f32 v0, v1;
	_ =	sdelay $0x1  }
0x51: {  	[tilespmem:s2+$0x3980] =	vst v0;
	v0 =	vld [tilespmem:s2+$0x990]  }
0x52: {  	v1 =	vld [tilespmem:$0x110];
	_ =	sdelay $0x4  }
0x53: {  	v0 =	vmul.f32 v0, v1;
	_ =	sdelay $0x1  }
0x54: {  	[tilespmem:s2+$0x3990] =	vst v0;
	v0 =	vld [tilespmem:s2+$0x9A0]  }
0x55: {  	v1 =	vld [tilespmem:$0x120];
	_ =	sdelay $0x4  }
0x56: {  	v0 =	vmul.f32 v0, v1;
	_ =	sdelay $0x1  }
0x57: {  	[tilespmem:s2+$0x39A0] =	vst v0;
	v0 =	vld [tilespmem:s2+$0x9B0]  }
0x58: {  	v1 =	vld [tilespmem:$0x130];
	_ =	sdelay $0x4  }
0x59: {  	v0 =	vmul.f32 v0, v1;
	_ =	sdelay $0x1  }
0x5a: {  	[tilespmem:s2+$0x39B0] =	vst v0;
	v0 =	vld [tilespmem:s2+$0x9C0]  }
0x5b: {  	v1 =	vld [tilespmem:$0x140];
	_ =	sdelay $0x4  }
0x5c: {  	v0 =	vmul.f32 v0, v1;
	_ =	sdelay $0x1  }
0x5d: {  	[tilespmem:s2+$0x39C0] =	vst v0;
	v0 =	vld [tilespmem:s2+$0x9D0]  }
0x5e: {  	v1 =	vld [tilespmem:$0x150];
	_ =	sdelay $0x4  }
0x5f: {  	v0 =	vmul.f32 v0, v1;
	_ =	sdelay $0x1  }
0x60: {  	[tilespmem:s2+$0x39D0] =	vst v0;
	v0 =	vld [tilespmem:s2+$0x9E0]  }
0x61: {  	v1 =	vld [tilespmem:$0x160];
	_ =	sdelay $0x4  }
0x62: {  	v0 =	vmul.f32 v0, v1;
	_ =	sdelay $0x1  }
0x63: {  	[tilespmem:s2+$0x39E0] =	vst v0;
	v0 =	vld [tilespmem:s2+$0x9F0]  }
0x64: {  	v1 =	vld [tilespmem:$0x170];
	_ =	sdelay $0x2  }
0x65: {  	s26 =	simm.s32 $0x0  }
0x66: {  	s24 =	simm.s32 $0x2;
	s25 =	smul.u32 $0xC00, s26;
	s23 =	simm.s32 $0x80  }
.LBB2_2:
0x67: {  	p0 =	sne.s32 s24, $0xF;
	s26 =	sand.u32 $0x380, s23;
	v0 =	vmul.f32 v0, v1  }
0x68: {  	s25 =	sor.u32 s26, s25  }
0x69: {  	v1 =	vld [tilespmem:s25+$0x180];
	[tilespmem:s2+$0x39F0] =	vst v0;
	s2 =	smov.u32 s25  }
0x6a: {  	v0 =	vld [tilespmem:$0x0];
	_ =	sdelay $0x4  }
0x6b: {  	v0 =	vmul.f32 v1, v0;
	_ =	sdelay $0x1  }
0x6c: {  	[tilespmem:s2+$0x3180] =	vst v0;
	v0 =	vld [tilespmem:s2+$0x190]  }
0x6d: {  	v1 =	vld [tilespmem:$0x10];
	_ =	sdelay $0x4  }
0x6e: {  	v0 =	vmul.f32 v0, v1;
	_ =	sdelay $0x1  }
0x6f: {  	[tilespmem:s2+$0x3190] =	vst v0;
	v0 =	vld [tilespmem:s2+$0x1A0]  }
0x70: {  	v1 =	vld [tilespmem:$0x20];
	_ =	sdelay $0x4  }
0x71: {  	v0 =	vmul.f32 v0, v1;
	_ =	sdelay $0x1  }
0x72: {  	[tilespmem:s2+$0x31A0] =	vst v0;
	v0 =	vld [tilespmem:s2+$0x1B0]  }
0x73: {  	v1 =	vld [tilespmem:$0x30];
	_ =	sdelay $0x4  }
0x74: {  	v0 =	vmul.f32 v0, v1;
	_ =	sdelay $0x1  }
0x75: {  	[tilespmem:s2+$0x31B0] =	vst v0;
	v0 =	vld [tilespmem:s2+$0x1C0]  }
0x76: {  	v1 =	vld [tilespmem:$0x40];
	_ =	sdelay $0x4  }
0x77: {  	v0 =	vmul.f32 v0, v1;
	_ =	sdelay $0x1  }
0x78: {  	[tilespmem:s2+$0x31C0] =	vst v0;
	v0 =	vld [tilespmem:s2+$0x1D0]  }
0x79: {  	v1 =	vld [tilespmem:$0x50];
	_ =	sdelay $0x4  }
0x7a: {  	v0 =	vmul.f32 v0, v1;
	_ =	sdelay $0x1  }
0x7b: {  	[tilespmem:s2+$0x31D0] =	vst v0;
	v0 =	vld [tilespmem:s2+$0x1E0]  }
0x7c: {  	v1 =	vld [tilespmem:$0x60];
	_ =	sdelay $0x4  }
0x7d: {  	v0 =	vmul.f32 v0, v1;
	_ =	sdelay $0x1  }
0x7e: {  	[tilespmem:s2+$0x31E0] =	vst v0;
	v0 =	vld [tilespmem:s2+$0x1F0]  }
0x7f: {  	v1 =	vld [tilespmem:$0x70];
	_ =	sdelay $0x4  }
0x80: {  	v0 =	vmul.f32 v0, v1;
	_ =	sdelay $0x1  }
0x81: {  	[tilespmem:s2+$0x31F0] =	vst v0;
	v0 =	vld [tilespmem:s2+$0x580]  }
0x82: {  	v1 =	vld [tilespmem:$0x80];
	_ =	sdelay $0x4  }
0x83: {  	v0 =	vmul.f32 v0, v1;
	_ =	sdelay $0x1  }
0x84: {  	[tilespmem:s2+$0x3580] =	vst v0;
	v0 =	vld [tilespmem:s2+$0x590]  }
0x85: {  	v1 =	vld [tilespmem:$0x90];
	_ =	sdelay $0x4  }
0x86: {  	v0 =	vmul.f32 v0, v1;
	_ =	sdelay $0x1  }
0x87: {  	[tilespmem:s2+$0x3590] =	vst v0;
	v0 =	vld [tilespmem:s2+$0x5A0]  }
0x88: {  	v1 =	vld [tilespmem:$0xA0];
	_ =	sdelay $0x4  }
0x89: {  	v0 =	vmul.f32 v0, v1;
	_ =	sdelay $0x1  }
0x8a: {  	[tilespmem:s2+$0x35A0] =	vst v0;
	v0 =	vld [tilespmem:s2+$0x5B0]  }
0x8b: {  	v1 =	vld [tilespmem:$0xB0];
	_ =	sdelay $0x4  }
0x8c: {  	v0 =	vmul.f32 v0, v1;
	_ =	sdelay $0x1  }
0x8d: {  	[tilespmem:s2+$0x35B0] =	vst v0;
	v0 =	vld [tilespmem:s2+$0x5C0]  }
0x8e: {  	v1 =	vld [tilespmem:$0xC0];
	_ =	sdelay $0x4  }
0x8f: {  	v0 =	vmul.f32 v0, v1;
	_ =	sdelay $0x1  }
0x90: {  	[tilespmem:s2+$0x35C0] =	vst v0;
	v0 =	vld [tilespmem:s2+$0x5D0]  }
0x91: {  	v1 =	vld [tilespmem:$0xD0];
	_ =	sdelay $0x4  }
0x92: {  	v0 =	vmul.f32 v0, v1;
	_ =	sdelay $0x1  }
0x93: {  	[tilespmem:s2+$0x35D0] =	vst v0;
	v0 =	vld [tilespmem:s2+$0x5E0]  }
0x94: {  	v1 =	vld [tilespmem:$0xE0];
	_ =	sdelay $0x4  }
0x95: {  	v0 =	vmul.f32 v0, v1;
	_ =	sdelay $0x1  }
0x96: {  	[tilespmem:s2+$0x35E0] =	vst v0;
	v0 =	vld [tilespmem:s2+$0x5F0]  }
0x97: {  	v1 =	vld [tilespmem:$0xF0];
	_ =	sdelay $0x4  }
0x98: {  	v0 =	vmul.f32 v0, v1;
	_ =	sdelay $0x1  }
0x99: {  	[tilespmem:s2+$0x35F0] =	vst v0;
	v0 =	vld [tilespmem:s2+$0x980]  }
0x9a: {  	v1 =	vld [tilespmem:$0x100];
	_ =	sdelay $0x4  }
0x9b: {  	v0 =	vmul.f32 v0, v1;
	_ =	sdelay $0x1  }
0x9c: {  	[tilespmem:s2+$0x3980] =	vst v0;
	v0 =	vld [tilespmem:s2+$0x990]  }
0x9d: {  	v1 =	vld [tilespmem:$0x110];
	_ =	sdelay $0x4  }
0x9e: {  	v0 =	vmul.f32 v0, v1;
	_ =	sdelay $0x1  }
0x9f: {  	[tilespmem:s2+$0x3990] =	vst v0;
	v0 =	vld [tilespmem:s2+$0x9A0]  }
0xa0: {  	v1 =	vld [tilespmem:$0x120];
	_ =	sdelay $0x4  }
0xa1: {  	v0 =	vmul.f32 v0, v1;
	_ =	sdelay $0x1  }
0xa2: {  	[tilespmem:s2+$0x39A0] =	vst v0;
	v0 =	vld [tilespmem:s2+$0x9B0]  }
0xa3: {  	v1 =	vld [tilespmem:$0x130];
	_ =	sdelay $0x4  }
0xa4: {  	v0 =	vmul.f32 v0, v1;
	_ =	sdelay $0x1  }
0xa5: {  	[tilespmem:s2+$0x39B0] =	vst v0;
	v0 =	vld [tilespmem:s2+$0x9C0]  }
0xa6: {  	v1 =	vld [tilespmem:$0x140];
	_ =	sdelay $0x4  }
0xa7: {  	v0 =	vmul.f32 v0, v1;
	_ =	sdelay $0x1  }
0xa8: {  	[tilespmem:s2+$0x39C0] =	vst v0;
	v0 =	vld [tilespmem:s2+$0x9D0]  }
0xa9: {  	v1 =	vld [tilespmem:$0x150];
	_ =	sdelay $0x4  }
0xaa: {  	v0 =	vmul.f32 v0, v1;
	_ =	sdelay $0x1  }
0xab: {  	[tilespmem:s2+$0x39D0] =	vst v0;
	v0 =	vld [tilespmem:s2+$0x9E0]  }
0xac: {  	v1 =	vld [tilespmem:$0x160];
	_ =	sdelay $0x4  }
0xad: {  	v0 =	vmul.f32 v0, v1;
	_ =	sdelay $0x1  }
0xae: {  	[tilespmem:s2+$0x39E0] =	vst v0;
	v0 =	vld [tilespmem:s2+$0x9F0]  }
.Ltmp0:
0xaf: {  	v1 =	vld [tilespmem:$0x170];
	(pc) =	sbr.rel @p0 .LBB2_2-.Ltmp0, $3  }
0xb0: {  	_ =	sdelay $0x1  }
0xb1: {  	s25 =	sshrl.u32 s24, $0x3  }
0xb2: {  	s23 =	sadd.s32 $0x80, s23;
	s24 =	sadd.s32 $0x1, s24;
	s25 =	smul.u32 $0xC00, s25  }
0xb3: {  	s23 =	sand.u32 $0x380, s23;
	v0 =	vmul.f32 v0, v1  }
0xb4: {  	s23 =	sor.u32 s23, s25  }
0xb5: {  	v1 =	vld [tilespmem:s23+$0x180];
	[tilespmem:s2+$0x39F0] =	vst v0  }
0xb6: {  	v0 =	vld [tilespmem:$0x0];
	_ =	sdelay $0x4  }
0xb7: {  	v0 =	vmul.f32 v1, v0;
	_ =	sdelay $0x1  }
0xb8: {  	[tilespmem:s23+$0x3180] =	vst v0;
	v0 =	vld [tilespmem:s23+$0x190]  }
0xb9: {  	v1 =	vld [tilespmem:$0x10];
	_ =	sdelay $0x4  }
0xba: {  	v0 =	vmul.f32 v0, v1;
	_ =	sdelay $0x1  }
0xbb: {  	[tilespmem:s23+$0x3190] =	vst v0;
	v0 =	vld [tilespmem:s23+$0x1A0]  }
0xbc: {  	v1 =	vld [tilespmem:$0x20];
	_ =	sdelay $0x4  }
0xbd: {  	v0 =	vmul.f32 v0, v1;
	_ =	sdelay $0x1  }
0xbe: {  	[tilespmem:s23+$0x31A0] =	vst v0;
	v0 =	vld [tilespmem:s23+$0x1B0]  }
0xbf: {  	v1 =	vld [tilespmem:$0x30];
	_ =	sdelay $0x4  }
0xc0: {  	v0 =	vmul.f32 v0, v1;
	_ =	sdelay $0x1  }
0xc1: {  	[tilespmem:s23+$0x31B0] =	vst v0;
	v0 =	vld [tilespmem:s23+$0x1C0]  }
0xc2: {  	v1 =	vld [tilespmem:$0x40];
	_ =	sdelay $0x4  }
0xc3: {  	v0 =	vmul.f32 v0, v1;
	_ =	sdelay $0x1  }
0xc4: {  	[tilespmem:s23+$0x31C0] =	vst v0;
	v0 =	vld [tilespmem:s23+$0x1D0]  }
0xc5: {  	v1 =	vld [tilespmem:$0x50];
	_ =	sdelay $0x4  }
0xc6: {  	v0 =	vmul.f32 v0, v1;
	_ =	sdelay $0x1  }
0xc7: {  	[tilespmem:s23+$0x31D0] =	vst v0;
	v0 =	vld [tilespmem:s23+$0x1E0]  }
0xc8: {  	v1 =	vld [tilespmem:$0x60];
	_ =	sdelay $0x4  }
0xc9: {  	v0 =	vmul.f32 v0, v1;
	_ =	sdelay $0x1  }
0xca: {  	[tilespmem:s23+$0x31E0] =	vst v0;
	v0 =	vld [tilespmem:s23+$0x1F0]  }
0xcb: {  	v1 =	vld [tilespmem:$0x70];
	_ =	sdelay $0x4  }
0xcc: {  	v0 =	vmul.f32 v0, v1;
	_ =	sdelay $0x1  }
0xcd: {  	[tilespmem:s23+$0x31F0] =	vst v0;
	v0 =	vld [tilespmem:s23+$0x580]  }
0xce: {  	v1 =	vld [tilespmem:$0x80];
	_ =	sdelay $0x4  }
0xcf: {  	v0 =	vmul.f32 v0, v1;
	_ =	sdelay $0x1  }
0xd0: {  	[tilespmem:s23+$0x3580] =	vst v0;
	v0 =	vld [tilespmem:s23+$0x590]  }
0xd1: {  	v1 =	vld [tilespmem:$0x90];
	_ =	sdelay $0x4  }
0xd2: {  	v0 =	vmul.f32 v0, v1;
	_ =	sdelay $0x1  }
0xd3: {  	[tilespmem:s23+$0x3590] =	vst v0;
	v0 =	vld [tilespmem:s23+$0x5A0]  }
0xd4: {  	v1 =	vld [tilespmem:$0xA0];
	_ =	sdelay $0x4  }
0xd5: {  	v0 =	vmul.f32 v0, v1;
	_ =	sdelay $0x1  }
0xd6: {  	[tilespmem:s23+$0x35A0] =	vst v0;
	v0 =	vld [tilespmem:s23+$0x5B0]  }
0xd7: {  	v1 =	vld [tilespmem:$0xB0];
	_ =	sdelay $0x4  }
0xd8: {  	v0 =	vmul.f32 v0, v1;
	_ =	sdelay $0x1  }
0xd9: {  	[tilespmem:s23+$0x35B0] =	vst v0;
	v0 =	vld [tilespmem:s23+$0x5C0]  }
0xda: {  	v1 =	vld [tilespmem:$0xC0];
	_ =	sdelay $0x4  }
0xdb: {  	v0 =	vmul.f32 v0, v1;
	_ =	sdelay $0x1  }
0xdc: {  	[tilespmem:s23+$0x35C0] =	vst v0;
	v0 =	vld [tilespmem:s23+$0x5D0]  }
0xdd: {  	v1 =	vld [tilespmem:$0xD0];
	_ =	sdelay $0x4  }
0xde: {  	v0 =	vmul.f32 v0, v1;
	_ =	sdelay $0x1  }
0xdf: {  	[tilespmem:s23+$0x35D0] =	vst v0;
	v0 =	vld [tilespmem:s23+$0x5E0]  }
0xe0: {  	v1 =	vld [tilespmem:$0xE0];
	_ =	sdelay $0x4  }
0xe1: {  	v0 =	vmul.f32 v0, v1;
	_ =	sdelay $0x1  }
0xe2: {  	[tilespmem:s23+$0x35E0] =	vst v0;
	v0 =	vld [tilespmem:s23+$0x5F0]  }
0xe3: {  	v1 =	vld [tilespmem:$0xF0];
	_ =	sdelay $0x4  }
0xe4: {  	v0 =	vmul.f32 v0, v1;
	_ =	sdelay $0x1  }
0xe5: {  	[tilespmem:s23+$0x35F0] =	vst v0;
	v0 =	vld [tilespmem:s23+$0x980]  }
0xe6: {  	v1 =	vld [tilespmem:$0x100];
	_ =	sdelay $0x4  }
0xe7: {  	v0 =	vmul.f32 v0, v1;
	_ =	sdelay $0x1  }
0xe8: {  	[tilespmem:s23+$0x3980] =	vst v0;
	v0 =	vld [tilespmem:s23+$0x990]  }
0xe9: {  	v1 =	vld [tilespmem:$0x110];
	_ =	sdelay $0x4  }
0xea: {  	v0 =	vmul.f32 v0, v1;
	_ =	sdelay $0x1  }
0xeb: {  	[tilespmem:s23+$0x3990] =	vst v0;
	v0 =	vld [tilespmem:s23+$0x9A0]  }
0xec: {  	v1 =	vld [tilespmem:$0x120];
	_ =	sdelay $0x4  }
0xed: {  	v0 =	vmul.f32 v0, v1;
	_ =	sdelay $0x1  }
0xee: {  	[tilespmem:s23+$0x39A0] =	vst v0;
	v0 =	vld [tilespmem:s23+$0x9B0]  }
0xef: {  	v1 =	vld [tilespmem:$0x130];
	_ =	sdelay $0x4  }
0xf0: {  	v0 =	vmul.f32 v0, v1;
	_ =	sdelay $0x1  }
0xf1: {  	[tilespmem:s23+$0x39B0] =	vst v0;
	v0 =	vld [tilespmem:s23+$0x9C0]  }
0xf2: {  	v1 =	vld [tilespmem:$0x140];
	_ =	sdelay $0x4  }
0xf3: {  	v0 =	vmul.f32 v0, v1;
	_ =	sdelay $0x1  }
0xf4: {  	[tilespmem:s23+$0x39C0] =	vst v0;
	v0 =	vld [tilespmem:s23+$0x9D0]  }
0xf5: {  	v1 =	vld [tilespmem:$0x150];
	_ =	sdelay $0x4  }
0xf6: {  	v0 =	vmul.f32 v0, v1;
	_ =	sdelay $0x1  }
0xf7: {  	[tilespmem:s23+$0x39D0] =	vst v0;
	v0 =	vld [tilespmem:s23+$0x9E0]  }
0xf8: {  	v1 =	vld [tilespmem:$0x160];
	_ =	sdelay $0x4  }
0xf9: {  	v0 =	vmul.f32 v0, v1;
	_ =	sdelay $0x1  }
0xfa: {  	[tilespmem:s23+$0x39E0] =	vst v0;
	v0 =	vld [tilespmem:s23+$0x9F0]  }
0xfb: {  	v1 =	vld [tilespmem:$0x170];
	_ =	sdelay $0x4  }
0xfc: {  	v0 =	vmul.f32 v0, v1;
	_ =	sdelay $0x1  }
0xfd: {  	[tilespmem:s23+$0x39F0] =	vst v0  }
0xfe: {  	[hbm4b:s5+s3] =	stream.linear.scatter [tilespmem:s29], [sflag:$0x3], $0x1800, $0x38;
	[tilespmem:$0x6180] =	vst v63  }
0xff: {  	_ = 	snop  }
0x100: {  	[hbm4b:s7+s3] =	stream.linear.scatter [tilespmem:s29], [sflag:$0x3], $0x1800, $0x38;
	[tilespmem:$0x6180] =	vst v63  }
0x101: {  	_ = 	snop  }
0x102: {  	[hbm4b:s8+s3] =	stream.linear.scatter [tilespmem:s29], [sflag:$0x3], $0x1800, $0x38;
	[tilespmem:$0x6180] =	vst v63  }
0x103: {  	_ = 	snop  }
0x104: {  	[hbm4b:s9+s3] =	stream.linear.scatter [tilespmem:s29], [sflag:$0x3], $0x1800, $0x38;
	[tilespmem:$0x6180] =	vst v63  }
0x105: {  	_ = 	snop  }
0x106: {  	[hbm4b:s10+s3] =	stream.linear.scatter [tilespmem:s29], [sflag:$0x3], $0x1800, $0x38;
	[tilespmem:$0x6180] =	vst v63  }
0x107: {  	_ = 	snop  }
0x108: {  	[hbm4b:s11+s3] =	stream.linear.scatter [tilespmem:s29], [sflag:$0x3], $0x1800, $0x38;
	[tilespmem:$0x6180] =	vst v63  }
0x109: {  	_ = 	snop  }
0x10a: {  	[hbm4b:s12+s3] =	stream.linear.scatter [tilespmem:s29], [sflag:$0x3], $0x1800, $0x38;
	[tilespmem:$0x6180] =	vst v63  }
0x10b: {  	s24 =	simm.s32 $0x2  }
0x10c: {  	[hbm4b:s13+s3] =	stream.linear.scatter [tilespmem:s29], [sflag:$0x3], $0x1800, $0x38;
	[tilespmem:$0x6180] =	vst v63  }
0x10d: {  	s25 =	simm.s32 $0x800;
	s2 =	smul.u32 $0xC00, s24;
	_ =	swait.ge [sflag:s30], $0x1800  }
0x10e: {  	s23 =	sand.u32 $0x380, s25;
	[sflag:s30] =	ssyncset.done $0x0  }
0x10f: {  	s2 =	sor.u32 s23, s2;
	[sflag:s30] =	ssyncadd.s32 $0xFFFFE800  }
0x110: {  	v0 =	vld [tilespmem:s2+$0x180]  }
0x111: {  	v1 =	vld [tilespmem:$0x0];
	_ =	sdelay $0x4  }
0x112: {  	v0 =	vmul.f32 v0, v1;
	_ =	sdelay $0x1  }
0x113: {  	[tilespmem:s2+$0x3180] =	vst v0;
	v0 =	vld [tilespmem:s2+$0x190]  }
0x114: {  	v1 =	vld [tilespmem:$0x10];
	_ =	sdelay $0x4  }
0x115: {  	v0 =	vmul.f32 v0, v1;
	_ =	sdelay $0x1  }
0x116: {  	[tilespmem:s2+$0x3190] =	vst v0;
	v0 =	vld [tilespmem:s2+$0x1A0]  }
0x117: {  	v1 =	vld [tilespmem:$0x20];
	_ =	sdelay $0x4  }
0x118: {  	v0 =	vmul.f32 v0, v1;
	_ =	sdelay $0x1  }
0x119: {  	[tilespmem:s2+$0x31A0] =	vst v0;
	v0 =	vld [tilespmem:s2+$0x1B0]  }
0x11a: {  	v1 =	vld [tilespmem:$0x30];
	_ =	sdelay $0x4  }
0x11b: {  	v0 =	vmul.f32 v0, v1;
	_ =	sdelay $0x1  }
0x11c: {  	[tilespmem:s2+$0x31B0] =	vst v0;
	v0 =	vld [tilespmem:s2+$0x1C0]  }
0x11d: {  	v1 =	vld [tilespmem:$0x40];
	_ =	sdelay $0x4  }
0x11e: {  	v0 =	vmul.f32 v0, v1;
	_ =	sdelay $0x1  }
0x11f: {  	[tilespmem:s2+$0x31C0] =	vst v0;
	v0 =	vld [tilespmem:s2+$0x1D0]  }
0x120: {  	v1 =	vld [tilespmem:$0x50];
	_ =	sdelay $0x4  }
0x121: {  	v0 =	vmul.f32 v0, v1;
	_ =	sdelay $0x1  }
0x122: {  	[tilespmem:s2+$0x31D0] =	vst v0;
	v0 =	vld [tilespmem:s2+$0x1E0]  }
0x123: {  	v1 =	vld [tilespmem:$0x60];
	_ =	sdelay $0x4  }
0x124: {  	v0 =	vmul.f32 v0, v1;
	_ =	sdelay $0x1  }
0x125: {  	[tilespmem:s2+$0x31E0] =	vst v0;
	v0 =	vld [tilespmem:s2+$0x1F0]  }
0x126: {  	v1 =	vld [tilespmem:$0x70];
	_ =	sdelay $0x4  }
0x127: {  	v0 =	vmul.f32 v0, v1;
	_ =	sdelay $0x1  }
0x128: {  	[tilespmem:s2+$0x31F0] =	vst v0;
	v0 =	vld [tilespmem:s2+$0x580]  }
0x129: {  	v1 =	vld [tilespmem:$0x80];
	_ =	sdelay $0x4  }
0x12a: {  	v0 =	vmul.f32 v0, v1;
	_ =	sdelay $0x1  }
0x12b: {  	[tilespmem:s2+$0x3580] =	vst v0;
	v0 =	vld [tilespmem:s2+$0x590]  }
0x12c: {  	v1 =	vld [tilespmem:$0x90];
	_ =	sdelay $0x4  }
0x12d: {  	v0 =	vmul.f32 v0, v1;
	_ =	sdelay $0x1  }
0x12e: {  	[tilespmem:s2+$0x3590] =	vst v0;
	v0 =	vld [tilespmem:s2+$0x5A0]  }
0x12f: {  	v1 =	vld [tilespmem:$0xA0];
	_ =	sdelay $0x4  }
0x130: {  	v0 =	vmul.f32 v0, v1;
	_ =	sdelay $0x1  }
0x131: {  	[tilespmem:s2+$0x35A0] =	vst v0;
	v0 =	vld [tilespmem:s2+$0x5B0]  }
0x132: {  	v1 =	vld [tilespmem:$0xB0];
	_ =	sdelay $0x4  }
0x133: {  	v0 =	vmul.f32 v0, v1;
	_ =	sdelay $0x1  }
0x134: {  	[tilespmem:s2+$0x35B0] =	vst v0;
	v0 =	vld [tilespmem:s2+$0x5C0]  }
0x135: {  	v1 =	vld [tilespmem:$0xC0];
	_ =	sdelay $0x4  }
0x136: {  	v0 =	vmul.f32 v0, v1;
	_ =	sdelay $0x1  }
0x137: {  	[tilespmem:s2+$0x35C0] =	vst v0;
	v0 =	vld [tilespmem:s2+$0x5D0]  }
0x138: {  	v1 =	vld [tilespmem:$0xD0];
	_ =	sdelay $0x4  }
0x139: {  	v0 =	vmul.f32 v0, v1;
	_ =	sdelay $0x1  }
0x13a: {  	[tilespmem:s2+$0x35D0] =	vst v0;
	v0 =	vld [tilespmem:s2+$0x5E0]  }
0x13b: {  	v1 =	vld [tilespmem:$0xE0];
	_ =	sdelay $0x4  }
0x13c: {  	v0 =	vmul.f32 v0, v1;
	_ =	sdelay $0x1  }
0x13d: {  	[tilespmem:s2+$0x35E0] =	vst v0;
	v0 =	vld [tilespmem:s2+$0x5F0]  }
0x13e: {  	v1 =	vld [tilespmem:$0xF0];
	_ =	sdelay $0x4  }
0x13f: {  	v0 =	vmul.f32 v0, v1;
	_ =	sdelay $0x1  }
0x140: {  	[tilespmem:s2+$0x35F0] =	vst v0;
	v0 =	vld [tilespmem:s2+$0x980]  }
0x141: {  	v1 =	vld [tilespmem:$0x100];
	_ =	sdelay $0x4  }
0x142: {  	v0 =	vmul.f32 v0, v1;
	_ =	sdelay $0x1  }
0x143: {  	[tilespmem:s2+$0x3980] =	vst v0;
	v0 =	vld [tilespmem:s2+$0x990]  }
0x144: {  	v1 =	vld [tilespmem:$0x110];
	_ =	sdelay $0x4  }
0x145: {  	v0 =	vmul.f32 v0, v1;
	_ =	sdelay $0x1  }
0x146: {  	[tilespmem:s2+$0x3990] =	vst v0;
	v0 =	vld [tilespmem:s2+$0x9A0]  }
0x147: {  	v1 =	vld [tilespmem:$0x120];
	_ =	sdelay $0x4  }
0x148: {  	v0 =	vmul.f32 v0, v1;
	_ =	sdelay $0x1  }
0x149: {  	[tilespmem:s2+$0x39A0] =	vst v0;
	v0 =	vld [tilespmem:s2+$0x9B0]  }
0x14a: {  	v1 =	vld [tilespmem:$0x130];
	_ =	sdelay $0x4  }
0x14b: {  	v0 =	vmul.f32 v0, v1;
	_ =	sdelay $0x1  }
0x14c: {  	[tilespmem:s2+$0x39B0] =	vst v0;
	v0 =	vld [tilespmem:s2+$0x9C0]  }
0x14d: {  	v1 =	vld [tilespmem:$0x140];
	_ =	sdelay $0x4  }
0x14e: {  	v0 =	vmul.f32 v0, v1;
	_ =	sdelay $0x1  }
0x14f: {  	[tilespmem:s2+$0x39C0] =	vst v0;
	v0 =	vld [tilespmem:s2+$0x9D0]  }
0x150: {  	v1 =	vld [tilespmem:$0x150];
	_ =	sdelay $0x4  }
0x151: {  	v0 =	vmul.f32 v0, v1;
	_ =	sdelay $0x1  }
0x152: {  	[tilespmem:s2+$0x39D0] =	vst v0;
	v0 =	vld [tilespmem:s2+$0x9E0]  }
0x153: {  	v1 =	vld [tilespmem:$0x160];
	_ =	sdelay $0x4  }
0x154: {  	v0 =	vmul.f32 v0, v1;
	_ =	sdelay $0x1  }
0x155: {  	[tilespmem:s2+$0x39E0] =	vst v0;
	v0 =	vld [tilespmem:s2+$0x9F0]  }
0x156: {  	v1 =	vld [tilespmem:$0x170];
	_ =	sdelay $0x2  }
0x157: {  	s26 =	simm.s32 $0x2  }
0x158: {  	s24 =	simm.s32 $0x12;
	s25 =	smul.u32 $0xC00, s26;
	s23 =	simm.s32 $0x880  }
.LBB2_4:
0x159: {  	p0 =	sne.s32 s24, $0x1F;
	s26 =	sand.u32 $0x380, s23;
	v0 =	vmul.f32 v0, v1  }
0x15a: {  	s25 =	sor.u32 s26, s25  }
0x15b: {  	v1 =	vld [tilespmem:s25+$0x180];
	[tilespmem:s2+$0x39F0] =	vst v0;
	s2 =	smov.u32 s25  }
0x15c: {  	v0 =	vld [tilespmem:$0x0];
	_ =	sdelay $0x4  }
0x15d: {  	v0 =	vmul.f32 v1, v0;
	_ =	sdelay $0x1  }
0x15e: {  	[tilespmem:s2+$0x3180] =	vst v0;
	v0 =	vld [tilespmem:s2+$0x190]  }
0x15f: {  	v1 =	vld [tilespmem:$0x10];
	_ =	sdelay $0x4  }
0x160: {  	v0 =	vmul.f32 v0, v1;
	_ =	sdelay $0x1  }
0x161: {  	[tilespmem:s2+$0x3190] =	vst v0;
	v0 =	vld [tilespmem:s2+$0x1A0]  }
0x162: {  	v1 =	vld [tilespmem:$0x20];
	_ =	sdelay $0x4  }
0x163: {  	v0 =	vmul.f32 v0, v1;
	_ =	sdelay $0x1  }
0x164: {  	[tilespmem:s2+$0x31A0] =	vst v0;
	v0 =	vld [tilespmem:s2+$0x1B0]  }
0x165: {  	v1 =	vld [tilespmem:$0x30];
	_ =	sdelay $0x4  }
0x166: {  	v0 =	vmul.f32 v0, v1;
	_ =	sdelay $0x1  }
0x167: {  	[tilespmem:s2+$0x31B0] =	vst v0;
	v0 =	vld [tilespmem:s2+$0x1C0]  }
0x168: {  	v1 =	vld [tilespmem:$0x40];
	_ =	sdelay $0x4  }
0x169: {  	v0 =	vmul.f32 v0, v1;
	_ =	sdelay $0x1  }
0x16a: {  	[tilespmem:s2+$0x31C0] =	vst v0;
	v0 =	vld [tilespmem:s2+$0x1D0]  }
0x16b: {  	v1 =	vld [tilespmem:$0x50];
	_ =	sdelay $0x4  }
0x16c: {  	v0 =	vmul.f32 v0, v1;
	_ =	sdelay $0x1  }
0x16d: {  	[tilespmem:s2+$0x31D0] =	vst v0;
	v0 =	vld [tilespmem:s2+$0x1E0]  }
0x16e: {  	v1 =	vld [tilespmem:$0x60];
	_ =	sdelay $0x4  }
0x16f: {  	v0 =	vmul.f32 v0, v1;
	_ =	sdelay $0x1  }
0x170: {  	[tilespmem:s2+$0x31E0] =	vst v0;
	v0 =	vld [tilespmem:s2+$0x1F0]  }
0x171: {  	v1 =	vld [tilespmem:$0x70];
	_ =	sdelay $0x4  }
0x172: {  	v0 =	vmul.f32 v0, v1;
	_ =	sdelay $0x1  }
0x173: {  	[tilespmem:s2+$0x31F0] =	vst v0;
	v0 =	vld [tilespmem:s2+$0x580]  }
0x174: {  	v1 =	vld [tilespmem:$0x80];
	_ =	sdelay $0x4  }
0x175: {  	v0 =	vmul.f32 v0, v1;
	_ =	sdelay $0x1  }
0x176: {  	[tilespmem:s2+$0x3580] =	vst v0;
	v0 =	vld [tilespmem:s2+$0x590]  }
0x177: {  	v1 =	vld [tilespmem:$0x90];
	_ =	sdelay $0x4  }
0x178: {  	v0 =	vmul.f32 v0, v1;
	_ =	sdelay $0x1  }
0x179: {  	[tilespmem:s2+$0x3590] =	vst v0;
	v0 =	vld [tilespmem:s2+$0x5A0]  }
0x17a: {  	v1 =	vld [tilespmem:$0xA0];
	_ =	sdelay $0x4  }
0x17b: {  	v0 =	vmul.f32 v0, v1;
	_ =	sdelay $0x1  }
0x17c: {  	[tilespmem:s2+$0x35A0] =	vst v0;
	v0 =	vld [tilespmem:s2+$0x5B0]  }
0x17d: {  	v1 =	vld [tilespmem:$0xB0];
	_ =	sdelay $0x4  }
0x17e: {  	v0 =	vmul.f32 v0, v1;
	_ =	sdelay $0x1  }
0x17f: {  	[tilespmem:s2+$0x35B0] =	vst v0;
	v0 =	vld [tilespmem:s2+$0x5C0]  }
0x180: {  	v1 =	vld [tilespmem:$0xC0];
	_ =	sdelay $0x4  }
0x181: {  	v0 =	vmul.f32 v0, v1;
	_ =	sdelay $0x1  }
0x182: {  	[tilespmem:s2+$0x35C0] =	vst v0;
	v0 =	vld [tilespmem:s2+$0x5D0]  }
0x183: {  	v1 =	vld [tilespmem:$0xD0];
	_ =	sdelay $0x4  }
0x184: {  	v0 =	vmul.f32 v0, v1;
	_ =	sdelay $0x1  }
0x185: {  	[tilespmem:s2+$0x35D0] =	vst v0;
	v0 =	vld [tilespmem:s2+$0x5E0]  }
0x186: {  	v1 =	vld [tilespmem:$0xE0];
	_ =	sdelay $0x4  }
0x187: {  	v0 =	vmul.f32 v0, v1;
	_ =	sdelay $0x1  }
0x188: {  	[tilespmem:s2+$0x35E0] =	vst v0;
	v0 =	vld [tilespmem:s2+$0x5F0]  }
0x189: {  	v1 =	vld [tilespmem:$0xF0];
	_ =	sdelay $0x4  }
0x18a: {  	v0 =	vmul.f32 v0, v1;
	_ =	sdelay $0x1  }
0x18b: {  	[tilespmem:s2+$0x35F0] =	vst v0;
	v0 =	vld [tilespmem:s2+$0x980]  }
0x18c: {  	v1 =	vld [tilespmem:$0x100];
	_ =	sdelay $0x4  }
0x18d: {  	v0 =	vmul.f32 v0, v1;
	_ =	sdelay $0x1  }
0x18e: {  	[tilespmem:s2+$0x3980] =	vst v0;
	v0 =	vld [tilespmem:s2+$0x990]  }
0x18f: {  	v1 =	vld [tilespmem:$0x110];
	_ =	sdelay $0x4  }
0x190: {  	v0 =	vmul.f32 v0, v1;
	_ =	sdelay $0x1  }
0x191: {  	[tilespmem:s2+$0x3990] =	vst v0;
	v0 =	vld [tilespmem:s2+$0x9A0]  }
0x192: {  	v1 =	vld [tilespmem:$0x120];
	_ =	sdelay $0x4  }
0x193: {  	v0 =	vmul.f32 v0, v1;
	_ =	sdelay $0x1  }
0x194: {  	[tilespmem:s2+$0x39A0] =	vst v0;
	v0 =	vld [tilespmem:s2+$0x9B0]  }
0x195: {  	v1 =	vld [tilespmem:$0x130];
	_ =	sdelay $0x4  }
0x196: {  	v0 =	vmul.f32 v0, v1;
	_ =	sdelay $0x1  }
0x197: {  	[tilespmem:s2+$0x39B0] =	vst v0;
	v0 =	vld [tilespmem:s2+$0x9C0]  }
0x198: {  	v1 =	vld [tilespmem:$0x140];
	_ =	sdelay $0x4  }
0x199: {  	v0 =	vmul.f32 v0, v1;
	_ =	sdelay $0x1  }
0x19a: {  	[tilespmem:s2+$0x39C0] =	vst v0;
	v0 =	vld [tilespmem:s2+$0x9D0]  }
0x19b: {  	v1 =	vld [tilespmem:$0x150];
	_ =	sdelay $0x4  }
0x19c: {  	v0 =	vmul.f32 v0, v1;
	_ =	sdelay $0x1  }
0x19d: {  	[tilespmem:s2+$0x39D0] =	vst v0;
	v0 =	vld [tilespmem:s2+$0x9E0]  }
0x19e: {  	v1 =	vld [tilespmem:$0x160];
	_ =	sdelay $0x4  }
0x19f: {  	v0 =	vmul.f32 v0, v1;
	_ =	sdelay $0x1  }
0x1a0: {  	[tilespmem:s2+$0x39E0] =	vst v0;
	v0 =	vld [tilespmem:s2+$0x9F0]  }
.Ltmp1:
0x1a1: {  	v1 =	vld [tilespmem:$0x170];
	(pc) =	sbr.rel @p0 .LBB2_4-.Ltmp1, $3  }
0x1a2: {  	_ =	sdelay $0x1  }
0x1a3: {  	s25 =	sshrl.u32 s24, $0x3  }
0x1a4: {  	s23 =	sadd.s32 $0x80, s23;
	s24 =	sadd.s32 $0x1, s24;
	s25 =	smul.u32 $0xC00, s25  }
0x1a5: {  	s23 =	sand.u32 $0x380, s23;
	v0 =	vmul.f32 v0, v1  }
0x1a6: {  	s23 =	sor.u32 s23, s25  }
0x1a7: {  	v17 =	vld [tilespmem:s23+$0x180];
	[tilespmem:s2+$0x39F0] =	vst v0  }
0x1a8: {  	v0 =	vld [tilespmem:$0x0];
	_ =	sdelay $0x4  }
0x1a9: {  	v0 =	vmul.f32 v17, v0;
	_ =	sdelay $0x1  }
0x1aa: {  	v18 =	vld [tilespmem:s23+$0x190];
	[tilespmem:s23+$0x3180] =	vst v0  }
0x1ab: {  	v19 =	vld [tilespmem:$0x10];
	_ =	sdelay $0x4  }
0x1ac: {  	v0 =	vmul.f32 v18, v19;
	_ =	sdelay $0x1  }
0x1ad: {  	v20 =	vld [tilespmem:s23+$0x1A0];
	[tilespmem:s23+$0x3190] =	vst v0  }
0x1ae: {  	v21 =	vld [tilespmem:$0x20];
	_ =	sdelay $0x4  }
0x1af: {  	v0 =	vmul.f32 v20, v21;
	_ =	sdelay $0x1  }
0x1b0: {  	v22 =	vld [tilespmem:s23+$0x1B0];
	[tilespmem:s23+$0x31A0] =	vst v0  }
0x1b1: {  	v23 =	vld [tilespmem:$0x30];
	_ =	sdelay $0x4  }
0x1b2: {  	v0 =	vmul.f32 v22, v23;
	_ =	sdelay $0x1  }
0x1b3: {  	v24 =	vld [tilespmem:s23+$0x1C0];
	[tilespmem:s23+$0x31B0] =	vst v0  }
0x1b4: {  	v25 =	vld [tilespmem:$0x40];
	_ =	sdelay $0x4  }
0x1b5: {  	v0 =	vmul.f32 v24, v25;
	_ =	sdelay $0x1  }
0x1b6: {  	v26 =	vld [tilespmem:s23+$0x1D0];
	[tilespmem:s23+$0x31C0] =	vst v0  }
0x1b7: {  	v27 =	vld [tilespmem:$0x50];
	_ =	sdelay $0x4  }
0x1b8: {  	v0 =	vmul.f32 v26, v27;
	_ =	sdelay $0x1  }
0x1b9: {  	v28 =	vld [tilespmem:s23+$0x1E0];
	[tilespmem:s23+$0x31D0] =	vst v0  }
0x1ba: {  	v29 =	vld [tilespmem:$0x60];
	_ =	sdelay $0x4  }
0x1bb: {  	v0 =	vmul.f32 v28, v29;
	_ =	sdelay $0x1  }
0x1bc: {  	v30 =	vld [tilespmem:s23+$0x1F0];
	[tilespmem:s23+$0x31E0] =	vst v0  }
0x1bd: {  	v31 =	vld [tilespmem:$0x70];
	_ =	sdelay $0x4  }
0x1be: {  	v0 =	vmul.f32 v30, v31;
	_ =	sdelay $0x1  }
0x1bf: {  	v32 =	vld [tilespmem:s23+$0x580];
	[tilespmem:s23+$0x31F0] =	vst v0  }
0x1c0: {  	v33 =	vld [tilespmem:$0x80];
	_ =	sdelay $0x4  }
0x1c1: {  	v0 =	vmul.f32 v32, v33;
	_ =	sdelay $0x1  }
0x1c2: {  	v34 =	vld [tilespmem:s23+$0x590];
	[tilespmem:s23+$0x3580] =	vst v0  }
0x1c3: {  	v35 =	vld [tilespmem:$0x90];
	_ =	sdelay $0x4  }
0x1c4: {  	v0 =	vmul.f32 v34, v35;
	_ =	sdelay $0x1  }
0x1c5: {  	v36 =	vld [tilespmem:s23+$0x5A0];
	[tilespmem:s23+$0x3590] =	vst v0  }
0x1c6: {  	v37 =	vld [tilespmem:$0xA0];
	_ =	sdelay $0x4  }
0x1c7: {  	v0 =	vmul.f32 v36, v37;
	_ =	sdelay $0x1  }
0x1c8: {  	v38 =	vld [tilespmem:s23+$0x5B0];
	[tilespmem:s23+$0x35A0] =	vst v0  }
0x1c9: {  	v39 =	vld [tilespmem:$0xB0];
	_ =	sdelay $0x4  }
0x1ca: {  	v0 =	vmul.f32 v38, v39;
	_ =	sdelay $0x1  }
0x1cb: {  	v40 =	vld [tilespmem:s23+$0x5C0];
	[tilespmem:s23+$0x35B0] =	vst v0  }
0x1cc: {  	v41 =	vld [tilespmem:$0xC0];
	_ =	sdelay $0x4  }
0x1cd: {  	v0 =	vmul.f32 v40, v41;
	_ =	sdelay $0x1  }
0x1ce: {  	v42 =	vld [tilespmem:s23+$0x5D0];
	[tilespmem:s23+$0x35C0] =	vst v0  }
0x1cf: {  	v43 =	vld [tilespmem:$0xD0];
	_ =	sdelay $0x4  }
0x1d0: {  	v0 =	vmul.f32 v42, v43;
	_ =	sdelay $0x1  }
0x1d1: {  	v44 =	vld [tilespmem:s23+$0x5E0];
	[tilespmem:s23+$0x35D0] =	vst v0  }
0x1d2: {  	v45 =	vld [tilespmem:$0xE0];
	_ =	sdelay $0x4  }
0x1d3: {  	v0 =	vmul.f32 v44, v45;
	_ =	sdelay $0x1  }
0x1d4: {  	v46 =	vld [tilespmem:s23+$0x5F0];
	[tilespmem:s23+$0x35E0] =	vst v0  }
0x1d5: {  	v47 =	vld [tilespmem:$0xF0];
	_ =	sdelay $0x4  }
0x1d6: {  	v0 =	vmul.f32 v46, v47;
	_ =	sdelay $0x1  }
0x1d7: {  	v48 =	vld [tilespmem:s23+$0x980];
	[tilespmem:s23+$0x35F0] =	vst v0  }
0x1d8: {  	v49 =	vld [tilespmem:$0x100];
	_ =	sdelay $0x4  }
0x1d9: {  	v0 =	vmul.f32 v48, v49;
	_ =	sdelay $0x1  }
0x1da: {  	v50 =	vld [tilespmem:s23+$0x990];
	[tilespmem:s23+$0x3980] =	vst v0  }
0x1db: {  	v51 =	vld [tilespmem:$0x110];
	_ =	sdelay $0x4  }
0x1dc: {  	v0 =	vmul.f32 v50, v51;
	_ =	sdelay $0x1  }
0x1dd: {  	v52 =	vld [tilespmem:s23+$0x9A0];
	[tilespmem:s23+$0x3990] =	vst v0  }
0x1de: {  	v53 =	vld [tilespmem:$0x120];
	_ =	sdelay $0x4  }
0x1df: {  	v0 =	vmul.f32 v52, v53;
	_ =	sdelay $0x1  }
0x1e0: {  	v54 =	vld [tilespmem:s23+$0x9B0];
	[tilespmem:s23+$0x39A0] =	vst v0  }
0x1e1: {  	v55 =	vld [tilespmem:$0x130];
	_ =	sdelay $0x4  }
0x1e2: {  	v0 =	vmul.f32 v54, v55;
	_ =	sdelay $0x1  }
0x1e3: {  	v56 =	vld [tilespmem:s23+$0x9C0];
	[tilespmem:s23+$0x39B0] =	vst v0  }
0x1e4: {  	v57 =	vld [tilespmem:$0x140];
	_ =	sdelay $0x4  }
0x1e5: {  	v0 =	vmul.f32 v56, v57;
	_ =	sdelay $0x1  }
0x1e6: {  	v58 =	vld [tilespmem:s23+$0x9D0];
	[tilespmem:s23+$0x39C0] =	vst v0  }
0x1e7: {  	v59 =	vld [tilespmem:$0x150];
	_ =	sdelay $0x4  }
0x1e8: {  	v0 =	vmul.f32 v58, v59;
	_ =	sdelay $0x1  }
0x1e9: {  	v60 =	vld [tilespmem:s23+$0x9E0];
	[tilespmem:s23+$0x39D0] =	vst v0  }
0x1ea: {  	v61 =	vld [tilespmem:$0x160];
	_ =	sdelay $0x4  }
0x1eb: {  	v0 =	vmul.f32 v60, v61;
	_ =	sdelay $0x1  }
0x1ec: {  	v62 =	vld [tilespmem:s23+$0x9F0];
	[tilespmem:s23+$0x39E0] =	vst v0  }
0x1ed: {  	v63 =	vld [tilespmem:$0x170];
	_ =	sdelay $0x4  }
0x1ee: {  	v0 =	vmul.f32 v62, v63;
	_ =	sdelay $0x1  }
0x1ef: {  	[tilespmem:s23+$0x39F0] =	vst v0  }
0x1f0: {  	[hbm4b:s14+s3] =	stream.linear.scatter [tilespmem:s31], [sflag:$0x3], $0x1800, $0x38;
	[tilespmem:$0x6180] =	vst v63  }
0x1f1: {  	_ = 	snop  }
0x1f2: {  	[hbm4b:s15+s3] =	stream.linear.scatter [tilespmem:s31], [sflag:$0x3], $0x1800, $0x38;
	[tilespmem:$0x6180] =	vst v63  }
0x1f3: {  	_ = 	snop  }
0x1f4: {  	[hbm4b:s16+s3] =	stream.linear.scatter [tilespmem:s31], [sflag:$0x3], $0x1800, $0x38;
	[tilespmem:$0x6180] =	vst v63  }
0x1f5: {  	_ = 	snop  }
0x1f6: {  	[hbm4b:s17+s3] =	stream.linear.scatter [tilespmem:s31], [sflag:$0x3], $0x1800, $0x38;
	[tilespmem:$0x6180] =	vst v63  }
0x1f7: {  	_ = 	snop  }
0x1f8: {  	[hbm4b:s18+s3] =	stream.linear.scatter [tilespmem:s31], [sflag:$0x3], $0x1800, $0x38;
	[tilespmem:$0x6180] =	vst v63  }
0x1f9: {  	_ = 	snop  }
0x1fa: {  	[hbm4b:s19+s3] =	stream.linear.scatter [tilespmem:s31], [sflag:$0x3], $0x1800, $0x38;
	[tilespmem:$0x6180] =	vst v63  }
0x1fb: {  	_ = 	snop  }
0x1fc: {  	[hbm4b:s20+s3] =	stream.linear.scatter [tilespmem:s31], [sflag:$0x3], $0x1800, $0x38;
	[tilespmem:$0x6180] =	vst v63  }
0x1fd: {  	_ = 	snop  }
0x1fe: {  	[hbm4b:s21+s3] =	stream.linear.scatter [tilespmem:s31], [sflag:$0x3], $0x1800, $0x38;
	[tilespmem:$0x6180] =	vst v63  }
0x1ff: {  	_ =	swait.ge [sflag:s1], $0x1800  }
0x200: {  	[sflag:s1] =	ssyncset.done $0x0  }
0x201: {  	[sflag:s1] =	ssyncadd.s32 $0xFFFFE800  }
0x202: {  	_ =	swait.ge [sflag:s1], $0x1800  }
0x203: {  	[sflag:s1] =	ssyncset.done $0x0  }
0x204: {  	[sflag:s1] =	ssyncadd.s32 $0xFFFFE800  }
0x205: {  	_ =	swait.ge [sflag:s1], $0x1800  }
0x206: {  	[sflag:s1] =	ssyncset.done $0x0  }
0x207: {  	[sflag:s1] =	ssyncadd.s32 $0xFFFFE800  }
0x208: {  	_ =	swait.ge [sflag:s1], $0x1800  }
0x209: {  	[sflag:s1] =	ssyncset.done $0x0  }
0x20a: {  	[sflag:s1] =	ssyncadd.s32 $0xFFFFE800  }
0x20b: {  	_ =	swait.ge [sflag:s1], $0x1800  }
0x20c: {  	[sflag:s1] =	ssyncset.done $0x0  }
0x20d: {  	[sflag:s1] =	ssyncadd.s32 $0xFFFFE800  }
0x20e: {  	_ =	swait.ge [sflag:s1], $0x1800  }
0x20f: {  	[sflag:s1] =	ssyncset.done $0x0  }
0x210: {  	[sflag:s1] =	ssyncadd.s32 $0xFFFFE800  }
0x211: {  	_ =	swait.ge [sflag:s1], $0x1800  }
0x212: {  	[sflag:s1] =	ssyncset.done $0x0  }
0x213: {  	[sflag:s1] =	ssyncadd.s32 $0xFFFFE800  }
0x214: {  	_ =	swait.ge [sflag:s1], $0x1800  }
0x215: {  	[sflag:s1] =	ssyncset.done $0x0  }
0x216: {  	[sflag:s1] =	ssyncadd.s32 $0xFFFFE800  }
0x217: {  	_ =	swait.ge [sflag:s1], $0x1800  }
0x218: {  	[sflag:s1] =	ssyncset.done $0x0  }
0x219: {  	[sflag:s1] =	ssyncadd.s32 $0xFFFFE800  }
0x21a: {  	_ =	swait.ge [sflag:s1], $0x1800  }
0x21b: {  	[sflag:s1] =	ssyncset.done $0x0  }
0x21c: {  	[sflag:s1] =	ssyncadd.s32 $0xFFFFE800  }
0x21d: {  	_ =	swait.ge [sflag:s1], $0x1800  }
0x21e: {  	[sflag:s1] =	ssyncset.done $0x0  }
0x21f: {  	[sflag:s1] =	ssyncadd.s32 $0xFFFFE800  }
0x220: {  	_ =	swait.ge [sflag:s1], $0x1800  }
0x221: {  	[sflag:s1] =	ssyncset.done $0x0  }
0x222: {  	[sflag:s1] =	ssyncadd.s32 $0xFFFFE800  }
0x223: {  	_ =	swait.ge [sflag:s1], $0x1800  }
0x224: {  	[sflag:s1] =	ssyncset.done $0x0  }
0x225: {  	[sflag:s1] =	ssyncadd.s32 $0xFFFFE800  }
0x226: {  	_ =	swait.ge [sflag:s1], $0x1800  }
0x227: {  	[sflag:s1] =	ssyncset.done $0x0  }
0x228: {  	s0 =	sadd.s32 $0x1, s0;
	[sflag:s1] =	ssyncadd.s32 $0xFFFFE800  }
0x229: {  	p0 =	sne.s32 s0, s22;
	_ =	swait.ge [sflag:s1], $0x1800  }
.Ltmp2:
0x22a: {  	[sflag:s1] =	ssyncset.done $0x0;
	(pc) =	sbr.rel @p0 .LBB2_1-.Ltmp2, $4  }
0x22b: {  	[sflag:s1] =	ssyncadd.s32 $0xFFFFE800  }
0x22c: {  	_ =	swait.ge [sflag:s1], $0x1800  }
0x22d: {  	[sflag:s1] =	ssyncset.done $0x0  }
0x22e: {  	[sflag:s1] =	ssyncadd.s32 $0xFFFFE800  }
0x22f: {  	_ =	sfence.sel $0x180000  }
0x230: {  	[bflag:$0x0] =	sbarrier.arrive $0xFFFF  }
0x231: {  	_ =	strace $0x90000047  }
0x232: {  	s0 =	stileid.u32;
	[bflag:$0x2] =	sbarrier.arrive $0xFFFF  }
0x233: {  	p0 =	sne.s32 s0, $0x0;
	s0 =	rddreg [dreg:$0x3]  }
0x234: {  	s0 =	sadd.s32 @!p0 $0x100000, s0  }
0x235: {  	[sflag:s0] =	ssyncadd.tile.s32 @!p0 $0x1;
	_ =	shalt  }
.Lfunc_end2:
_tile_overlayer_lowered:
.L_overlay_start_2:
0x236: {  	(tag) =	ssettag $0x2  }
0x237: {  	s0 =	rddreg [dreg:$0x0];
	s2 =	stileid.u32  }
0x238: {  	s1 =	rddreg [dreg:$0x1];
	p0 =	sne.s32 s2, $0x0  }
0x239: {  	s3 =	rddreg [dreg:$0x2];
	[bflag:$0x3] =	sbarrier.arrive $0xFFFF;
	s2 =	simm.s32 @!p0 $0x1C04  }
0x23a: {  	[timem:s3], [sflag:s2] =	dma.local @!p0 [hbm:s0], s1  }
0x23b: {  	s0 =	simm.s32 @!p0 $0x4  }
0x23c: {  	_ =	swait.ge @!p0 [sflag:s0], s1  }
0x23d: {  	s1 =	ssub.s32 @!p0 $0x0, s1;
	[sflag:s0] =	ssyncset.done @!p0 $0x0  }
0x23e: {  	[sflag:s0] =	ssyncadd.s32 @!p0 s1  }
0x23f: {  	[bflag:$0x3] =	sbarrier.arrive $0xFFFF  }
0x240: {  	_ =	shalt  }

</sc_bundles>
